<compile_context>
chip_gen: v7x
topology: tpu7x:2x2x1
jax: 0.10.2.dev20260603
libtpu: 0.0.44.dev20260713+nightly
codegen_flags: <defaults>
</compile_context>

<pallas_src>
import functools

import jax
import jax.numpy as jnp
from jax import lax
from jax.experimental import pallas as pl
from jax.experimental.pallas import tpu as pltpu
from jax.experimental.pallas import tpu_sc as plsc

_KTOP = 5
_LANES = 128
_KB = 1024


def _ce(a, b):
    return jnp.maximum(a, b), jnp.minimum(a, b)


def _insert(r, chunks):
    assert len(chunks) % 4 == 0
    for t in range(len(chunks) // 4):
        y = list(chunks[4 * t:4 * t + 4])
        y[0], y[1] = _ce(y[0], y[1])
        y[2], y[3] = _ce(y[2], y[3])
        y[0], y[2] = _ce(y[0], y[2])
        y[1], y[3] = _ce(y[1], y[3])
        y[1], y[2] = _ce(y[1], y[2])
        c = [r[0],
             jnp.maximum(r[1], y[3]),
             jnp.maximum(r[2], y[2]),
             jnp.maximum(r[3], y[1]),
             jnp.maximum(r[4], y[0])]
        c[0], c[4] = _ce(c[0], c[4])
        c[1], c[3] = _ce(c[1], c[3])
        c[2], c[4] = _ce(c[2], c[4])
        c[1], c[2] = _ce(c[1], c[2])
        c[3], c[4] = _ce(c[3], c[4])
        r = c
    return r


def _m_chunks(m):
    return [m[:, c * _LANES:(c + 1) * _LANES]
            for c in range(m.shape[1] // _LANES)]


def _tc_body(q_ref, k_ref, cand_ref, r_ref, mprev_ref, *, nt, ktop):
    j = pl.program_id(0)

    @pl.when(j == 0)
    def _init():
        r_ref[...] = jnp.full(r_ref.shape, -jnp.inf, dtype=r_ref.dtype)
        mprev_ref[...] = jnp.full(mprev_ref.shape, -jnp.inf,
                                  dtype=mprev_ref.dtype)

    @pl.when(j < nt)
    def _main():
        q = q_ref[...]

        def mk(kblk):
            kb16 = kblk.astype(jnp.bfloat16)
            cross = jax.lax.dot_general(
                q, kb16, (((1,), (1,)), ((), ())),
                preferred_element_type=jnp.float32,
            )
            ksq = jnp.sum(kblk * kblk, axis=1)
            return cross - 0.5 * ksq[None, :]

        r = [r_ref[i] for i in range(ktop)]
        r = _insert(r, _m_chunks(mprev_ref[...]))
        m_a = mk(k_ref[:_KB, :])
        r = _insert(r, _m_chunks(m_a))
        m_b = mk(k_ref[_KB:, :])
        for i in range(ktop):
            r_ref[i] = r[i]
        mprev_ref[...] = m_b

    @pl.when(j == nt)
    def _final():
        r = [r_ref[i] for i in range(ktop)]
        r = _insert(r, _m_chunks(mprev_ref[...]))
        q_rows = r[0].shape[0]
        qf = q_ref[...].astype(jnp.float32)
        qsq = jnp.sum(qf * qf, axis=1, keepdims=True)
        for i in range(ktop):
            v = (2.0 * r[i] - qsq).reshape(q_rows // 16, 16, _LANES)
            cand_ref[:, i * _LANES:(i + 1) * _LANES, :] = jnp.swapaxes(v, 1, 2)


def _sc_sqrt(x):
    i = lax.bitcast_convert_type(x, jnp.int32)
    i = jnp.int32(0x5F3759DF) - lax.shift_right_arithmetic(i, 1)
    y = lax.bitcast_convert_type(i, jnp.float32)
    for _ in range(3):
        y = y * (1.5 - 0.5 * x * y * y)
    return x * y


def _sc_merge_body(arr_hbm, out_hbm, grp_v, out_v, *, ktop, rows_per_w):
    nc = 2
    wid = lax.axis_index("s") * nc + lax.axis_index("c")
    base = wid * rows_per_w
    ngroups = rows_per_w // 16
    for gg in range(ngroups):
        pltpu.sync_copy(arr_hbm.at[wid * ngroups + gg], grp_v.at[gg])

    for gg in range(ngroups):
        ninf16 = jnp.full((16,), -jnp.inf, jnp.float32)

        def quad_body(qt, r, gg=gg):
            y = [grp_v[gg, 4 * qt + qi, :] for qi in range(4)]
            r = list(r)
            y[0], y[1] = _ce(y[0], y[1])
            y[2], y[3] = _ce(y[2], y[3])
            y[0], y[2] = _ce(y[0], y[2])
            y[1], y[3] = _ce(y[1], y[3])
            y[1], y[2] = _ce(y[1], y[2])
            c = [r[0],
                 jnp.maximum(r[1], y[3]),
                 jnp.maximum(r[2], y[2]),
                 jnp.maximum(r[3], y[1]),
                 jnp.maximum(r[4], y[0])]
            c[0], c[4] = _ce(c[0], c[4])
            c[1], c[3] = _ce(c[1], c[3])
            c[2], c[4] = _ce(c[2], c[4])
            c[1], c[2] = _ce(c[1], c[2])
            c[3], c[4] = _ce(c[3], c[4])
            return tuple(c)

        r = lax.fori_loop(0, (ktop * _LANES) // 4, quad_body,
                          (ninf16,) * ktop)
        score = jnp.zeros((16,), jnp.float32)
        for i in range(ktop):
            d2 = jnp.maximum(-r[i], 0.0)
            score = score + _sc_sqrt(d2 + 1e-12)
        out_v[gg * 16:(gg + 1) * 16] = score
    pltpu.sync_copy(out_v, out_hbm.at[pl.ds(base, rows_per_w)])


def kernel(queries, keys, k):
    q_rows, d = queries.shape
    n_keys = keys.shape[0]
    nt = n_keys // (2 * _KB)

    qb16 = queries.astype(jnp.bfloat16)

    cand = pl.pallas_call(
        functools.partial(_tc_body, nt=nt, ktop=_KTOP),
        grid=(nt + 1,),
        in_specs=[
            pl.BlockSpec((q_rows, d), lambda j: (0, 0)),
            pl.BlockSpec((2 * _KB, d), lambda j: (jnp.minimum(j, nt - 1), 0)),
        ],
        out_specs=pl.BlockSpec((q_rows // 16, _KTOP * _LANES, 16),
                               lambda j: (0, 0, 0)),
        out_shape=jax.ShapeDtypeStruct((q_rows // 16, _KTOP * _LANES, 16),
                                       jnp.float32),
        scratch_shapes=[
            pltpu.VMEM((_KTOP, q_rows, _LANES), jnp.float32),
            pltpu.VMEM((q_rows, _KB), jnp.float32),
        ],
    )(qb16, keys)

    n_workers = 32
    rows_per_w = q_rows // n_workers
    ngroups = rows_per_w // 16
    width = _KTOP * _LANES
    arr = cand
    mesh = plsc.VectorSubcoreMesh(core_axis_name="c", subcore_axis_name="s")
    scores = pl.kernel(
        functools.partial(_sc_merge_body, ktop=_KTOP,
                          rows_per_w=rows_per_w),
        mesh=mesh,
        compiler_params=pltpu.CompilerParams(use_tc_tiling_on_sc=False),
        out_type=jax.ShapeDtypeStruct((q_rows,), jnp.float32),
        scratch_types=[
            pltpu.VMEM((ngroups, width, 16), jnp.float32),
            pltpu.VMEM((rows_per_w,), jnp.float32),
        ],
    )(arr)
    return scores / k

# --- scband reference (transcript-rebuilt; emitter-appended) ---
"""Pipeline reference for scband-detection-46643344834989 (READ-ONLY COPY).

The authoritative reference and input builder live on the scoring server;
editing this copy changes nothing except your own understanding.
"""

import jax, jax.numpy as jnp
import numpy as np


def setup_inputs(seed: int = 0) -> dict:
    key = jax.random.key(seed)
    kq, kk = jax.random.split(key)
    queries = jax.random.normal(kq, (1024, 768), dtype=jnp.float32)
    keys = jax.random.normal(kk, (65536, 768), dtype=jnp.float32)
    return {"queries": queries, "keys": keys, "k": 5}


def reference(queries, keys, k):
    # kNN anomaly scorer core (the compute kernel inside Detection.predict):
    # pairwise squared Euclidean distances between query features and the
    # support feature memory bank, then mean distance to the k nearest
    # neighbors as the anomaly score.
    q_sq = jnp.sum(queries * queries, axis=1, keepdims=True)          # [Q, 1]
    k_sq = jnp.sum(keys * keys, axis=1)[None, :]                      # [1, K]
    cross = queries @ keys.T                                          # [Q, K] (compute-bound matmul)
    d2 = q_sq + k_sq - 2.0 * cross
    d2 = jnp.maximum(d2, 0.0)
    k_static = 5
    neg_top, _idx = jax.lax.top_k(-d2, k_static)                      # k smallest distances
    nn_dists = jnp.sqrt(-neg_top + 1e-12)
    scores = jnp.sum(nn_dists, axis=1) / k                            # [Q] anomaly scores
    return scores

if __name__ == "__main__":
    import jax
    _d = setup_inputs()
    print(jax.jit(kernel)(*tuple(_d.values())))

</pallas_src>

<mosaic_0001>
#map = affine_map<(d0, d1) -> (0, 0, 0)>
#map1 = affine_map<(d0, d1) -> (0)>
module attributes {stable_mosaic.version = 14 : i64} {
  func.func @_sc_merge_body(%arg0: i32, %arg1: i32, %arg2: memref<64x640x16xf32, #tpu.memory_space<hbm>>, %arg3: memref<1024xf32, #tpu.memory_space<hbm>>, %arg4: memref<2x640x16xf32, #tpu.memory_space<vmem>>, %arg5: memref<32xf32, #tpu.memory_space<vmem>>) attributes {dimension_semantics = [#tpu.dimension_semantics<core_parallel>, #tpu.dimension_semantics<subcore_parallel>], iteration_bounds = array<i64: 2, 16>, scalar_prefetch = 0 : i64, scratch_operands = 2 : i64, tpu.core_type = #tpu.core_type<sc_vector_subcore>, window_params = [{transform_indices = #map}, {transform_indices = #map1}]} {
    %mul3A = arith.constant 2 : i32
    %mul3A_0 = arith.muli %arg1, %mul3A : i32
    %add3A = arith.addi %mul3A_0, %arg0 : i32
    %mul3A_1 = arith.constant 32 : i32
    %mul3A_2 = arith.muli %add3A, %mul3A_1 : i32
    %mul3A_3 = arith.constant 2 : i32
    %mul3A_4 = arith.muli %add3A, %mul3A_3 : i32
    %add3A_5 = arith.constant 0 : i32
    %add3A_6 = arith.addi %mul3A_4, %add3A_5 : i32
    %run_scoped3A = arith.constant 0 : i32
    "tpu.region"() ({
      %run_scoped3A_492 = tpu.sem_alloc : memref<!tpu.dma_semaphore, #tpu.memory_space<semaphore_mem>>
      %dma_start3A = arith.constant 0 : i32
      %dma_start3A_493 = arith.constant 0 : i32
      %dma_start3A_494 = tpu.memref_slice %arg4[%run_scoped3A, %dma_start3A, %dma_start3A_493] : memref<2x640x16xf32, #tpu.memory_space<vmem>> -> memref<1x640x16xf32, #tpu.memory_space<vmem>>
      %dma_start3A_495 = tpu.memref_squeeze %dma_start3A_494 : memref<1x640x16xf32, #tpu.memory_space<vmem>> -> memref<640x16xf32, #tpu.memory_space<vmem>>
      %dma_start3A_496 = arith.constant 0 : i32
      %dma_start3A_497 = arith.constant 0 : i32
      %dma_start3A_498 = tpu.memref_slice %arg2[%add3A_6, %dma_start3A_496, %dma_start3A_497] : memref<64x640x16xf32, #tpu.memory_space<hbm>> -> memref<1x640x16xf32, #tpu.memory_space<hbm>>
      %dma_start3A_499 = tpu.memref_squeeze %dma_start3A_498 : memref<1x640x16xf32, #tpu.memory_space<hbm>> -> memref<640x16xf32, #tpu.memory_space<hbm>>
      %dma_start3A_500 = arith.constant 0 : i32
      %dma_start3A_501 = arith.constant 0 : i32
      %dma_start3A_502 = tpu.memref_slice %arg4[%run_scoped3A, %dma_start3A_500, %dma_start3A_501] : memref<2x640x16xf32, #tpu.memory_space<vmem>> -> memref<1x640x16xf32, #tpu.memory_space<vmem>>
      %dma_start3A_503 = tpu.memref_squeeze %dma_start3A_502 : memref<1x640x16xf32, #tpu.memory_space<vmem>> -> memref<640x16xf32, #tpu.memory_space<vmem>>
      %dma_start3A_504 = arith.constant 0 : i32
      %dma_start3A_505 = arith.constant 0 : i32
      %dma_start3A_506 = tpu.memref_slice %arg2[%add3A_6, %dma_start3A_504, %dma_start3A_505] : memref<64x640x16xf32, #tpu.memory_space<hbm>> -> memref<1x640x16xf32, #tpu.memory_space<hbm>>
      %dma_start3A_507 = tpu.memref_squeeze %dma_start3A_506 : memref<1x640x16xf32, #tpu.memory_space<hbm>> -> memref<640x16xf32, #tpu.memory_space<hbm>>
      tpu.enqueue_dma source(%dma_start3A_507 : memref<640x16xf32, #tpu.memory_space<hbm>>) target(%dma_start3A_503 : memref<640x16xf32, #tpu.memory_space<vmem>>) target_semaphore(%run_scoped3A_492 : memref<!tpu.dma_semaphore, #tpu.memory_space<semaphore_mem>>)
      %dma_wait3A = arith.constant 0 : i32
      %dma_wait3A_508 = arith.constant 0 : i32
      %dma_wait3A_509 = tpu.memref_slice %arg4[%run_scoped3A, %dma_wait3A, %dma_wait3A_508] : memref<2x640x16xf32, #tpu.memory_space<vmem>> -> memref<1x640x16xf32, #tpu.memory_space<vmem>>
      %dma_wait3A_510 = tpu.memref_squeeze %dma_wait3A_509 : memref<1x640x16xf32, #tpu.memory_space<vmem>> -> memref<640x16xf32, #tpu.memory_space<vmem>>
      %dma_wait3A_511 = arith.constant 0 : i32
      %dma_wait3A_512 = arith.constant 0 : i32
      %dma_wait3A_513 = tpu.memref_slice %arg2[%add3A_6, %dma_wait3A_511, %dma_wait3A_512] : memref<64x640x16xf32, #tpu.memory_space<hbm>> -> memref<1x640x16xf32, #tpu.memory_space<hbm>>
      %dma_wait3A_514 = tpu.memref_squeeze %dma_wait3A_513 : memref<1x640x16xf32, #tpu.memory_space<hbm>> -> memref<640x16xf32, #tpu.memory_space<hbm>>
      %dma_wait3A_515 = arith.constant 0 : i32
      %dma_wait3A_516 = arith.constant 0 : i32
      %dma_wait3A_517 = tpu.memref_slice %arg4[%run_scoped3A, %dma_wait3A_515, %dma_wait3A_516] : memref<2x640x16xf32, #tpu.memory_space<vmem>> -> memref<1x640x16xf32, #tpu.memory_space<vmem>>
      %dma_wait3A_518 = tpu.memref_squeeze %dma_wait3A_517 : memref<1x640x16xf32, #tpu.memory_space<vmem>> -> memref<640x16xf32, #tpu.memory_space<vmem>>
      %dma_wait3A_519 = arith.constant 0 : i32
      %dma_wait3A_520 = arith.constant 0 : i32
      %dma_wait3A_521 = tpu.memref_slice %arg2[%add3A_6, %dma_wait3A_519, %dma_wait3A_520] : memref<64x640x16xf32, #tpu.memory_space<hbm>> -> memref<1x640x16xf32, #tpu.memory_space<hbm>>
      %dma_wait3A_522 = tpu.memref_squeeze %dma_wait3A_521 : memref<1x640x16xf32, #tpu.memory_space<hbm>> -> memref<640x16xf32, #tpu.memory_space<hbm>>
      tpu.wait_dma2 semaphore(%run_scoped3A_492 : memref<!tpu.dma_semaphore, #tpu.memory_space<semaphore_mem>>) src(%dma_wait3A_522 : memref<640x16xf32, #tpu.memory_space<hbm>>) dst(%dma_wait3A_518 : memref<640x16xf32, #tpu.memory_space<vmem>>)
      tpu.yield
    }) : () -> ()
    %mul3A_7 = arith.constant 2 : i32
    %mul3A_8 = arith.muli %add3A, %mul3A_7 : i32
    %add3A_9 = arith.constant 1 : i32
    %add3A_10 = arith.addi %mul3A_8, %add3A_9 : i32
    %run_scoped3A_11 = arith.constant 1 : i32
    "tpu.region"() ({
      %run_scoped3A_492 = tpu.sem_alloc : memref<!tpu.dma_semaphore, #tpu.memory_space<semaphore_mem>>
      %dma_start3A = arith.constant 0 : i32
      %dma_start3A_493 = arith.constant 0 : i32
      %dma_start3A_494 = tpu.memref_slice %arg4[%run_scoped3A_11, %dma_start3A, %dma_start3A_493] : memref<2x640x16xf32, #tpu.memory_space<vmem>> -> memref<1x640x16xf32, #tpu.memory_space<vmem>>
      %dma_start3A_495 = tpu.memref_squeeze %dma_start3A_494 : memref<1x640x16xf32, #tpu.memory_space<vmem>> -> memref<640x16xf32, #tpu.memory_space<vmem>>
      %dma_start3A_496 = arith.constant 0 : i32
      %dma_start3A_497 = arith.constant 0 : i32
      %dma_start3A_498 = tpu.memref_slice %arg2[%add3A_10, %dma_start3A_496, %dma_start3A_497] : memref<64x640x16xf32, #tpu.memory_space<hbm>> -> memref<1x640x16xf32, #tpu.memory_space<hbm>>
      %dma_start3A_499 = tpu.memref_squeeze %dma_start3A_498 : memref<1x640x16xf32, #tpu.memory_space<hbm>> -> memref<640x16xf32, #tpu.memory_space<hbm>>
      %dma_start3A_500 = arith.constant 0 : i32
      %dma_start3A_501 = arith.constant 0 : i32
      %dma_start3A_502 = tpu.memref_slice %arg4[%run_scoped3A_11, %dma_start3A_500, %dma_start3A_501] : memref<2x640x16xf32, #tpu.memory_space<vmem>> -> memref<1x640x16xf32, #tpu.memory_space<vmem>>
      %dma_start3A_503 = tpu.memref_squeeze %dma_start3A_502 : memref<1x640x16xf32, #tpu.memory_space<vmem>> -> memref<640x16xf32, #tpu.memory_space<vmem>>
      %dma_start3A_504 = arith.constant 0 : i32
      %dma_start3A_505 = arith.constant 0 : i32
      %dma_start3A_506 = tpu.memref_slice %arg2[%add3A_10, %dma_start3A_504, %dma_start3A_505] : memref<64x640x16xf32, #tpu.memory_space<hbm>> -> memref<1x640x16xf32, #tpu.memory_space<hbm>>
      %dma_start3A_507 = tpu.memref_squeeze %dma_start3A_506 : memref<1x640x16xf32, #tpu.memory_space<hbm>> -> memref<640x16xf32, #tpu.memory_space<hbm>>
      tpu.enqueue_dma source(%dma_start3A_507 : memref<640x16xf32, #tpu.memory_space<hbm>>) target(%dma_start3A_503 : memref<640x16xf32, #tpu.memory_space<vmem>>) target_semaphore(%run_scoped3A_492 : memref<!tpu.dma_semaphore, #tpu.memory_space<semaphore_mem>>)
      %dma_wait3A = arith.constant 0 : i32
      %dma_wait3A_508 = arith.constant 0 : i32
      %dma_wait3A_509 = tpu.memref_slice %arg4[%run_scoped3A_11, %dma_wait3A, %dma_wait3A_508] : memref<2x640x16xf32, #tpu.memory_space<vmem>> -> memref<1x640x16xf32, #tpu.memory_space<vmem>>
      %dma_wait3A_510 = tpu.memref_squeeze %dma_wait3A_509 : memref<1x640x16xf32, #tpu.memory_space<vmem>> -> memref<640x16xf32, #tpu.memory_space<vmem>>
      %dma_wait3A_511 = arith.constant 0 : i32
      %dma_wait3A_512 = arith.constant 0 : i32
      %dma_wait3A_513 = tpu.memref_slice %arg2[%add3A_10, %dma_wait3A_511, %dma_wait3A_512] : memref<64x640x16xf32, #tpu.memory_space<hbm>> -> memref<1x640x16xf32, #tpu.memory_space<hbm>>
      %dma_wait3A_514 = tpu.memref_squeeze %dma_wait3A_513 : memref<1x640x16xf32, #tpu.memory_space<hbm>> -> memref<640x16xf32, #tpu.memory_space<hbm>>
      %dma_wait3A_515 = arith.constant 0 : i32
      %dma_wait3A_516 = arith.constant 0 : i32
      %dma_wait3A_517 = tpu.memref_slice %arg4[%run_scoped3A_11, %dma_wait3A_515, %dma_wait3A_516] : memref<2x640x16xf32, #tpu.memory_space<vmem>> -> memref<1x640x16xf32, #tpu.memory_space<vmem>>
      %dma_wait3A_518 = tpu.memref_squeeze %dma_wait3A_517 : memref<1x640x16xf32, #tpu.memory_space<vmem>> -> memref<640x16xf32, #tpu.memory_space<vmem>>
      %dma_wait3A_519 = arith.constant 0 : i32
      %dma_wait3A_520 = arith.constant 0 : i32
      %dma_wait3A_521 = tpu.memref_slice %arg2[%add3A_10, %dma_wait3A_519, %dma_wait3A_520] : memref<64x640x16xf32, #tpu.memory_space<hbm>> -> memref<1x640x16xf32, #tpu.memory_space<hbm>>
      %dma_wait3A_522 = tpu.memref_squeeze %dma_wait3A_521 : memref<1x640x16xf32, #tpu.memory_space<hbm>> -> memref<640x16xf32, #tpu.memory_space<hbm>>
      tpu.wait_dma2 semaphore(%run_scoped3A_492 : memref<!tpu.dma_semaphore, #tpu.memory_space<semaphore_mem>>) src(%dma_wait3A_522 : memref<640x16xf32, #tpu.memory_space<hbm>>) dst(%dma_wait3A_518 : memref<640x16xf32, #tpu.memory_space<vmem>>)
      tpu.yield
    }) : () -> ()
    %broadcast_in_dim3A = arith.constant 0xFF800000 : f32
    %broadcast_in_dim3A_12 = vector.broadcast %broadcast_in_dim3A : f32 to vector<16xf32>
    %scan3A = arith.constant 0 : i32
    %scan3A_13 = arith.constant 160 : i32
    %scan3A_14 = arith.addi %scan3A, %scan3A_13 : i32
    %scan3A_15 = arith.constant 1 : i32
    %scan3A_16:5 = scf.for %scan3A_492 = %scan3A to %scan3A_14 step %scan3A_15 iter_args(%scan3A_493 = %broadcast_in_dim3A_12, %scan3A_494 = %broadcast_in_dim3A_12, %scan3A_495 = %broadcast_in_dim3A_12, %scan3A_496 = %broadcast_in_dim3A_12, %scan3A_497 = %broadcast_in_dim3A_12) -> (vector<16xf32>, vector<16xf32>, vector<16xf32>, vector<16xf32>, vector<16xf32>)  : i32 {
      %mul3A_498 = arith.constant 4 : i32
      %mul3A_499 = arith.muli %mul3A_498, %scan3A_492 : i32
      %add3A_500 = arith.constant 0 : i32
      %add3A_501 = arith.addi %mul3A_499, %add3A_500 : i32
      %get3A = arith.constant 0 : i32
      %get3A_502 = arith.index_cast %get3A : i32 to index
      %get3A_503 = arith.index_cast %add3A_501 : i32 to index
      %get3A_504 = arith.constant 0 : index
      %get3A_505 = tpu.vector_load %arg4[%get3A_502, %get3A_503, %get3A_504] {strides = array<i32>} : memref<2x640x16xf32, #tpu.memory_space<vmem>>, vector<1x1x16xf32>,
      %get3A_506 = vector.shape_cast %get3A_505 : vector<1x1x16xf32> to vector<16xf32>
      %mul3A_507 = arith.constant 4 : i32
      %mul3A_508 = arith.muli %mul3A_507, %scan3A_492 : i32
      %add3A_509 = arith.constant 1 : i32
      %add3A_510 = arith.addi %mul3A_508, %add3A_509 : i32
      %get3A_511 = arith.constant 0 : i32
      %get3A_512 = arith.index_cast %get3A_511 : i32 to index
      %get3A_513 = arith.index_cast %add3A_510 : i32 to index
      %get3A_514 = arith.constant 0 : index
      %get3A_515 = tpu.vector_load %arg4[%get3A_512, %get3A_513, %get3A_514] {strides = array<i32>} : memref<2x640x16xf32, #tpu.memory_space<vmem>>, vector<1x1x16xf32>,
      %get3A_516 = vector.shape_cast %get3A_515 : vector<1x1x16xf32> to vector<16xf32>
      %mul3A_517 = arith.constant 4 : i32
      %mul3A_518 = arith.muli %mul3A_517, %scan3A_492 : i32
      %add3A_519 = arith.constant 2 : i32
      %add3A_520 = arith.addi %mul3A_518, %add3A_519 : i32
      %get3A_521 = arith.constant 0 : i32
      %get3A_522 = arith.index_cast %get3A_521 : i32 to index
      %get3A_523 = arith.index_cast %add3A_520 : i32 to index
      %get3A_524 = arith.constant 0 : index
      %get3A_525 = tpu.vector_load %arg4[%get3A_522, %get3A_523, %get3A_524] {strides = array<i32>} : memref<2x640x16xf32, #tpu.memory_space<vmem>>, vector<1x1x16xf32>,
      %get3A_526 = vector.shape_cast %get3A_525 : vector<1x1x16xf32> to vector<16xf32>
      %mul3A_527 = arith.constant 4 : i32
      %mul3A_528 = arith.muli %mul3A_527, %scan3A_492 : i32
      %add3A_529 = arith.constant 3 : i32
      %add3A_530 = arith.addi %mul3A_528, %add3A_529 : i32
      %get3A_531 = arith.constant 0 : i32
      %get3A_532 = arith.index_cast %get3A_531 : i32 to index
      %get3A_533 = arith.index_cast %add3A_530 : i32 to index
      %get3A_534 = arith.constant 0 : index
      %get3A_535 = tpu.vector_load %arg4[%get3A_532, %get3A_533, %get3A_534] {strides = array<i32>} : memref<2x640x16xf32, #tpu.memory_space<vmem>>, vector<1x1x16xf32>,
      %get3A_536 = vector.shape_cast %get3A_535 : vector<1x1x16xf32> to vector<16xf32>
      %max3A_537 = arith.maximumf %get3A_506, %get3A_516 : vector<16xf32>
      %min3A = arith.minimumf %get3A_506, %get3A_516 : vector<16xf32>
      %max3A_538 = arith.maximumf %get3A_526, %get3A_536 : vector<16xf32>
      %min3A_539 = arith.minimumf %get3A_526, %get3A_536 : vector<16xf32>
      %max3A_540 = arith.maximumf %max3A_537, %max3A_538 : vector<16xf32>
      %min3A_541 = arith.minimumf %max3A_537, %max3A_538 : vector<16xf32>
      %max3A_542 = arith.maximumf %min3A, %min3A_539 : vector<16xf32>
      %min3A_543 = arith.minimumf %min3A, %min3A_539 : vector<16xf32>
      %max3A_544 = arith.maximumf %max3A_542, %min3A_541 : vector<16xf32>
      %min3A_545 = arith.minimumf %max3A_542, %min3A_541 : vector<16xf32>
      %max3A_546 = arith.maximumf %scan3A_494, %min3A_543 : vector<16xf32>
      %max3A_547 = arith.maximumf %scan3A_495, %min3A_545 : vector<16xf32>
      %max3A_548 = arith.maximumf %scan3A_496, %max3A_544 : vector<16xf32>
      %max3A_549 = arith.maximumf %scan3A_497, %max3A_540 : vector<16xf32>
      %max3A_550 = arith.maximumf %scan3A_493, %max3A_549 : vector<16xf32>
      %min3A_551 = arith.minimumf %scan3A_493, %max3A_549 : vector<16xf32>
      %max3A_552 = arith.maximumf %max3A_546, %max3A_548 : vector<16xf32>
      %min3A_553 = arith.minimumf %max3A_546, %max3A_548 : vector<16xf32>
      %max3A_554 = arith.maximumf %max3A_547, %min3A_551 : vector<16xf32>
      %min3A_555 = arith.minimumf %max3A_547, %min3A_551 : vector<16xf32>
      %max3A_556 = arith.maximumf %max3A_552, %max3A_554 : vector<16xf32>
      %min3A_557 = arith.minimumf %max3A_552, %max3A_554 : vector<16xf32>
      %max3A_558 = arith.maximumf %min3A_553, %min3A_555 : vector<16xf32>
      %min3A_559 = arith.minimumf %min3A_553, %min3A_555 : vector<16xf32>
      scf.yield %max3A_550, %max3A_556, %min3A_557, %max3A_558, %min3A_559 : vector<16xf32>, vector<16xf32>, vector<16xf32>, vector<16xf32>, vector<16xf32>
    }
    %scan3A_17 = arith.constant 160 : i32
    %broadcast_in_dim3A_18 = arith.constant 0.000000e+00 : f32
    %broadcast_in_dim3A_19 = vector.broadcast %broadcast_in_dim3A_18 : f32 to vector<16xf32>
    %neg3A = arith.constant 0.000000e+00 : f32
    %neg3A_20 = vector.broadcast %neg3A : f32 to vector<16xf32>
    %neg3A_21 = arith.subf %neg3A_20, %scan3A_16#0 : vector<16xf32>
    %max3A = arith.constant 0.000000e+00 : f32
    %max3A_22 = vector.broadcast %max3A : f32 to vector<16xf32>
    %max3A_23 = arith.maximumf %neg3A_21, %max3A_22 : vector<16xf32>
    %add3A_24 = arith.constant 9.99999996E-13 : f32
    %add3A_25 = vector.broadcast %add3A_24 : f32 to vector<16xf32>
    %add3A_26 = arith.addf %max3A_23, %add3A_25 : vector<16xf32>
    %bitcast_convert_type3A = tpu.bitcast %add3A_26 : vector<16xf32> -> vector<16xi32>
    %shift_right_arithmetic3A = arith.constant 1 : i32
    %shift_right_arithmetic3A_27 = vector.broadcast %shift_right_arithmetic3A : i32 to vector<16xi32>
    %shift_right_arithmetic3A_28 = arith.shrsi %bitcast_convert_type3A, %shift_right_arithmetic3A_27 : vector<16xi32>
    %sub3A = arith.constant 1597463007 : i32
    %sub3A_29 = vector.broadcast %sub3A : i32 to vector<16xi32>
    %sub3A_30 = arith.subi %sub3A_29, %shift_right_arithmetic3A_28 : vector<16xi32>
    %bitcast_convert_type3A_31 = tpu.bitcast %sub3A_30 : vector<16xi32> -> vector<16xf32>
    %mul3A_32 = arith.constant 5.000000e-01 : f32
    %mul3A_33 = vector.broadcast %mul3A_32 : f32 to vector<16xf32>
    %mul3A_34 = arith.mulf %mul3A_33, %add3A_26 : vector<16xf32>
    %mul3A_35 = arith.mulf %mul3A_34, %bitcast_convert_type3A_31 : vector<16xf32>
    %mul3A_36 = arith.mulf %mul3A_35, %bitcast_convert_type3A_31 : vector<16xf32>
    %sub3A_37 = arith.constant 1.500000e+00 : f32
    %sub3A_38 = vector.broadcast %sub3A_37 : f32 to vector<16xf32>
    %sub3A_39 = arith.subf %sub3A_38, %mul3A_36 : vector<16xf32>
    %mul3A_40 = arith.mulf %bitcast_convert_type3A_31, %sub3A_39 : vector<16xf32>
    %mul3A_41 = arith.constant 5.000000e-01 : f32
    %mul3A_42 = vector.broadcast %mul3A_41 : f32 to vector<16xf32>
    %mul3A_43 = arith.mulf %mul3A_42, %add3A_26 : vector<16xf32>
    %mul3A_44 = arith.mulf %mul3A_43, %mul3A_40 : vector<16xf32>
    %mul3A_45 = arith.mulf %mul3A_44, %mul3A_40 : vector<16xf32>
    %sub3A_46 = arith.constant 1.500000e+00 : f32
    %sub3A_47 = vector.broadcast %sub3A_46 : f32 to vector<16xf32>
    %sub3A_48 = arith.subf %sub3A_47, %mul3A_45 : vector<16xf32>
    %mul3A_49 = arith.mulf %mul3A_40, %sub3A_48 : vector<16xf32>
    %mul3A_50 = arith.constant 5.000000e-01 : f32
    %mul3A_51 = vector.broadcast %mul3A_50 : f32 to vector<16xf32>
    %mul3A_52 = arith.mulf %mul3A_51, %add3A_26 : vector<16xf32>
    %mul3A_53 = arith.mulf %mul3A_52, %mul3A_49 : vector<16xf32>
    %mul3A_54 = arith.mulf %mul3A_53, %mul3A_49 : vector<16xf32>
    %sub3A_55 = arith.constant 1.500000e+00 : f32
    %sub3A_56 = vector.broadcast %sub3A_55 : f32 to vector<16xf32>
    %sub3A_57 = arith.subf %sub3A_56, %mul3A_54 : vector<16xf32>
    %mul3A_58 = arith.mulf %mul3A_49, %sub3A_57 : vector<16xf32>
    %mul3A_59 = arith.mulf %add3A_26, %mul3A_58 : vector<16xf32>
    %add3A_60 = arith.addf %broadcast_in_dim3A_19, %mul3A_59 : vector<16xf32>
    %neg3A_61 = arith.constant 0.000000e+00 : f32
    %neg3A_62 = vector.broadcast %neg3A_61 : f32 to vector<16xf32>
    %neg3A_63 = arith.subf %neg3A_62, %scan3A_16#1 : vector<16xf32>
    %max3A_64 = arith.constant 0.000000e+00 : f32
    %max3A_65 = vector.broadcast %max3A_64 : f32 to vector<16xf32>
    %max3A_66 = arith.maximumf %neg3A_63, %max3A_65 : vector<16xf32>
    %add3A_67 = arith.constant 9.99999996E-13 : f32
    %add3A_68 = vector.broadcast %add3A_67 : f32 to vector<16xf32>
    %add3A_69 = arith.addf %max3A_66, %add3A_68 : vector<16xf32>
    %bitcast_convert_type3A_70 = tpu.bitcast %add3A_69 : vector<16xf32> -> vector<16xi32>
    %shift_right_arithmetic3A_71 = arith.constant 1 : i32
    %shift_right_arithmetic3A_72 = vector.broadcast %shift_right_arithmetic3A_71 : i32 to vector<16xi32>
    %shift_right_arithmetic3A_73 = arith.shrsi %bitcast_convert_type3A_70, %shift_right_arithmetic3A_72 : vector<16xi32>
    %sub3A_74 = arith.constant 1597463007 : i32
    %sub3A_75 = vector.broadcast %sub3A_74 : i32 to vector<16xi32>
    %sub3A_76 = arith.subi %sub3A_75, %shift_right_arithmetic3A_73 : vector<16xi32>
    %bitcast_convert_type3A_77 = tpu.bitcast %sub3A_76 : vector<16xi32> -> vector<16xf32>
    %mul3A_78 = arith.constant 5.000000e-01 : f32
    %mul3A_79 = vector.broadcast %mul3A_78 : f32 to vector<16xf32>
    %mul3A_80 = arith.mulf %mul3A_79, %add3A_69 : vector<16xf32>
    %mul3A_81 = arith.mulf %mul3A_80, %bitcast_convert_type3A_77 : vector<16xf32>
    %mul3A_82 = arith.mulf %mul3A_81, %bitcast_convert_type3A_77 : vector<16xf32>
    %sub3A_83 = arith.constant 1.500000e+00 : f32
    %sub3A_84 = vector.broadcast %sub3A_83 : f32 to vector<16xf32>
    %sub3A_85 = arith.subf %sub3A_84, %mul3A_82 : vector<16xf32>
    %mul3A_86 = arith.mulf %bitcast_convert_type3A_77, %sub3A_85 : vector<16xf32>
    %mul3A_87 = arith.constant 5.000000e-01 : f32
    %mul3A_88 = vector.broadcast %mul3A_87 : f32 to vector<16xf32>
    %mul3A_89 = arith.mulf %mul3A_88, %add3A_69 : vector<16xf32>
    %mul3A_90 = arith.mulf %mul3A_89, %mul3A_86 : vector<16xf32>
    %mul3A_91 = arith.mulf %mul3A_90, %mul3A_86 : vector<16xf32>
    %sub3A_92 = arith.constant 1.500000e+00 : f32
    %sub3A_93 = vector.broadcast %sub3A_92 : f32 to vector<16xf32>
    %sub3A_94 = arith.subf %sub3A_93, %mul3A_91 : vector<16xf32>
    %mul3A_95 = arith.mulf %mul3A_86, %sub3A_94 : vector<16xf32>
    %mul3A_96 = arith.constant 5.000000e-01 : f32
    %mul3A_97 = vector.broadcast %mul3A_96 : f32 to vector<16xf32>
    %mul3A_98 = arith.mulf %mul3A_97, %add3A_69 : vector<16xf32>
    %mul3A_99 = arith.mulf %mul3A_98, %mul3A_95 : vector<16xf32>
    %mul3A_100 = arith.mulf %mul3A_99, %mul3A_95 : vector<16xf32>
    %sub3A_101 = arith.constant 1.500000e+00 : f32
    %sub3A_102 = vector.broadcast %sub3A_101 : f32 to vector<16xf32>
    %sub3A_103 = arith.subf %sub3A_102, %mul3A_100 : vector<16xf32>
    %mul3A_104 = arith.mulf %mul3A_95, %sub3A_103 : vector<16xf32>
    %mul3A_105 = arith.mulf %add3A_69, %mul3A_104 : vector<16xf32>
    %add3A_106 = arith.addf %add3A_60, %mul3A_105 : vector<16xf32>
    %neg3A_107 = arith.constant 0.000000e+00 : f32
    %neg3A_108 = vector.broadcast %neg3A_107 : f32 to vector<16xf32>
    %neg3A_109 = arith.subf %neg3A_108, %scan3A_16#2 : vector<16xf32>
    %max3A_110 = arith.constant 0.000000e+00 : f32
    %max3A_111 = vector.broadcast %max3A_110 : f32 to vector<16xf32>
    %max3A_112 = arith.maximumf %neg3A_109, %max3A_111 : vector<16xf32>
    %add3A_113 = arith.constant 9.99999996E-13 : f32
    %add3A_114 = vector.broadcast %add3A_113 : f32 to vector<16xf32>
    %add3A_115 = arith.addf %max3A_112, %add3A_114 : vector<16xf32>
    %bitcast_convert_type3A_116 = tpu.bitcast %add3A_115 : vector<16xf32> -> vector<16xi32>
    %shift_right_arithmetic3A_117 = arith.constant 1 : i32
    %shift_right_arithmetic3A_118 = vector.broadcast %shift_right_arithmetic3A_117 : i32 to vector<16xi32>
    %shift_right_arithmetic3A_119 = arith.shrsi %bitcast_convert_type3A_116, %shift_right_arithmetic3A_118 : vector<16xi32>
    %sub3A_120 = arith.constant 1597463007 : i32
    %sub3A_121 = vector.broadcast %sub3A_120 : i32 to vector<16xi32>
    %sub3A_122 = arith.subi %sub3A_121, %shift_right_arithmetic3A_119 : vector<16xi32>
    %bitcast_convert_type3A_123 = tpu.bitcast %sub3A_122 : vector<16xi32> -> vector<16xf32>
    %mul3A_124 = arith.constant 5.000000e-01 : f32
    %mul3A_125 = vector.broadcast %mul3A_124 : f32 to vector<16xf32>
    %mul3A_126 = arith.mulf %mul3A_125, %add3A_115 : vector<16xf32>
    %mul3A_127 = arith.mulf %mul3A_126, %bitcast_convert_type3A_123 : vector<16xf32>
    %mul3A_128 = arith.mulf %mul3A_127, %bitcast_convert_type3A_123 : vector<16xf32>
    %sub3A_129 = arith.constant 1.500000e+00 : f32
    %sub3A_130 = vector.broadcast %sub3A_129 : f32 to vector<16xf32>
    %sub3A_131 = arith.subf %sub3A_130, %mul3A_128 : vector<16xf32>
    %mul3A_132 = arith.mulf %bitcast_convert_type3A_123, %sub3A_131 : vector<16xf32>
    %mul3A_133 = arith.constant 5.000000e-01 : f32
    %mul3A_134 = vector.broadcast %mul3A_133 : f32 to vector<16xf32>
    %mul3A_135 = arith.mulf %mul3A_134, %add3A_115 : vector<16xf32>
    %mul3A_136 = arith.mulf %mul3A_135, %mul3A_132 : vector<16xf32>
    %mul3A_137 = arith.mulf %mul3A_136, %mul3A_132 : vector<16xf32>
    %sub3A_138 = arith.constant 1.500000e+00 : f32
    %sub3A_139 = vector.broadcast %sub3A_138 : f32 to vector<16xf32>
    %sub3A_140 = arith.subf %sub3A_139, %mul3A_137 : vector<16xf32>
    %mul3A_141 = arith.mulf %mul3A_132, %sub3A_140 : vector<16xf32>
    %mul3A_142 = arith.constant 5.000000e-01 : f32
    %mul3A_143 = vector.broadcast %mul3A_142 : f32 to vector<16xf32>
    %mul3A_144 = arith.mulf %mul3A_143, %add3A_115 : vector<16xf32>
    %mul3A_145 = arith.mulf %mul3A_144, %mul3A_141 : vector<16xf32>
    %mul3A_146 = arith.mulf %mul3A_145, %mul3A_141 : vector<16xf32>
    %sub3A_147 = arith.constant 1.500000e+00 : f32
    %sub3A_148 = vector.broadcast %sub3A_147 : f32 to vector<16xf32>
    %sub3A_149 = arith.subf %sub3A_148, %mul3A_146 : vector<16xf32>
    %mul3A_150 = arith.mulf %mul3A_141, %sub3A_149 : vector<16xf32>
    %mul3A_151 = arith.mulf %add3A_115, %mul3A_150 : vector<16xf32>
    %add3A_152 = arith.addf %add3A_106, %mul3A_151 : vector<16xf32>
    %neg3A_153 = arith.constant 0.000000e+00 : f32
    %neg3A_154 = vector.broadcast %neg3A_153 : f32 to vector<16xf32>
    %neg3A_155 = arith.subf %neg3A_154, %scan3A_16#3 : vector<16xf32>
    %max3A_156 = arith.constant 0.000000e+00 : f32
    %max3A_157 = vector.broadcast %max3A_156 : f32 to vector<16xf32>
    %max3A_158 = arith.maximumf %neg3A_155, %max3A_157 : vector<16xf32>
    %add3A_159 = arith.constant 9.99999996E-13 : f32
    %add3A_160 = vector.broadcast %add3A_159 : f32 to vector<16xf32>
    %add3A_161 = arith.addf %max3A_158, %add3A_160 : vector<16xf32>
    %bitcast_convert_type3A_162 = tpu.bitcast %add3A_161 : vector<16xf32> -> vector<16xi32>
    %shift_right_arithmetic3A_163 = arith.constant 1 : i32
    %shift_right_arithmetic3A_164 = vector.broadcast %shift_right_arithmetic3A_163 : i32 to vector<16xi32>
    %shift_right_arithmetic3A_165 = arith.shrsi %bitcast_convert_type3A_162, %shift_right_arithmetic3A_164 : vector<16xi32>
    %sub3A_166 = arith.constant 1597463007 : i32
    %sub3A_167 = vector.broadcast %sub3A_166 : i32 to vector<16xi32>
    %sub3A_168 = arith.subi %sub3A_167, %shift_right_arithmetic3A_165 : vector<16xi32>
    %bitcast_convert_type3A_169 = tpu.bitcast %sub3A_168 : vector<16xi32> -> vector<16xf32>
    %mul3A_170 = arith.constant 5.000000e-01 : f32
    %mul3A_171 = vector.broadcast %mul3A_170 : f32 to vector<16xf32>
    %mul3A_172 = arith.mulf %mul3A_171, %add3A_161 : vector<16xf32>
    %mul3A_173 = arith.mulf %mul3A_172, %bitcast_convert_type3A_169 : vector<16xf32>
    %mul3A_174 = arith.mulf %mul3A_173, %bitcast_convert_type3A_169 : vector<16xf32>
    %sub3A_175 = arith.constant 1.500000e+00 : f32
    %sub3A_176 = vector.broadcast %sub3A_175 : f32 to vector<16xf32>
    %sub3A_177 = arith.subf %sub3A_176, %mul3A_174 : vector<16xf32>
    %mul3A_178 = arith.mulf %bitcast_convert_type3A_169, %sub3A_177 : vector<16xf32>
    %mul3A_179 = arith.constant 5.000000e-01 : f32
    %mul3A_180 = vector.broadcast %mul3A_179 : f32 to vector<16xf32>
    %mul3A_181 = arith.mulf %mul3A_180, %add3A_161 : vector<16xf32>
    %mul3A_182 = arith.mulf %mul3A_181, %mul3A_178 : vector<16xf32>
    %mul3A_183 = arith.mulf %mul3A_182, %mul3A_178 : vector<16xf32>
    %sub3A_184 = arith.constant 1.500000e+00 : f32
    %sub3A_185 = vector.broadcast %sub3A_184 : f32 to vector<16xf32>
    %sub3A_186 = arith.subf %sub3A_185, %mul3A_183 : vector<16xf32>
    %mul3A_187 = arith.mulf %mul3A_178, %sub3A_186 : vector<16xf32>
    %mul3A_188 = arith.constant 5.000000e-01 : f32
    %mul3A_189 = vector.broadcast %mul3A_188 : f32 to vector<16xf32>
    %mul3A_190 = arith.mulf %mul3A_189, %add3A_161 : vector<16xf32>
    %mul3A_191 = arith.mulf %mul3A_190, %mul3A_187 : vector<16xf32>
    %mul3A_192 = arith.mulf %mul3A_191, %mul3A_187 : vector<16xf32>
    %sub3A_193 = arith.constant 1.500000e+00 : f32
    %sub3A_194 = vector.broadcast %sub3A_193 : f32 to vector<16xf32>
    %sub3A_195 = arith.subf %sub3A_194, %mul3A_192 : vector<16xf32>
    %mul3A_196 = arith.mulf %mul3A_187, %sub3A_195 : vector<16xf32>
    %mul3A_197 = arith.mulf %add3A_161, %mul3A_196 : vector<16xf32>
    %add3A_198 = arith.addf %add3A_152, %mul3A_197 : vector<16xf32>
    %neg3A_199 = arith.constant 0.000000e+00 : f32
    %neg3A_200 = vector.broadcast %neg3A_199 : f32 to vector<16xf32>
    %neg3A_201 = arith.subf %neg3A_200, %scan3A_16#4 : vector<16xf32>
    %max3A_202 = arith.constant 0.000000e+00 : f32
    %max3A_203 = vector.broadcast %max3A_202 : f32 to vector<16xf32>
    %max3A_204 = arith.maximumf %neg3A_201, %max3A_203 : vector<16xf32>
    %add3A_205 = arith.constant 9.99999996E-13 : f32
    %add3A_206 = vector.broadcast %add3A_205 : f32 to vector<16xf32>
    %add3A_207 = arith.addf %max3A_204, %add3A_206 : vector<16xf32>
    %bitcast_convert_type3A_208 = tpu.bitcast %add3A_207 : vector<16xf32> -> vector<16xi32>
    %shift_right_arithmetic3A_209 = arith.constant 1 : i32
    %shift_right_arithmetic3A_210 = vector.broadcast %shift_right_arithmetic3A_209 : i32 to vector<16xi32>
    %shift_right_arithmetic3A_211 = arith.shrsi %bitcast_convert_type3A_208, %shift_right_arithmetic3A_210 : vector<16xi32>
    %sub3A_212 = arith.constant 1597463007 : i32
    %sub3A_213 = vector.broadcast %sub3A_212 : i32 to vector<16xi32>
    %sub3A_214 = arith.subi %sub3A_213, %shift_right_arithmetic3A_211 : vector<16xi32>
    %bitcast_convert_type3A_215 = tpu.bitcast %sub3A_214 : vector<16xi32> -> vector<16xf32>
    %mul3A_216 = arith.constant 5.000000e-01 : f32
    %mul3A_217 = vector.broadcast %mul3A_216 : f32 to vector<16xf32>
    %mul3A_218 = arith.mulf %mul3A_217, %add3A_207 : vector<16xf32>
    %mul3A_219 = arith.mulf %mul3A_218, %bitcast_convert_type3A_215 : vector<16xf32>
    %mul3A_220 = arith.mulf %mul3A_219, %bitcast_convert_type3A_215 : vector<16xf32>
    %sub3A_221 = arith.constant 1.500000e+00 : f32
    %sub3A_222 = vector.broadcast %sub3A_221 : f32 to vector<16xf32>
    %sub3A_223 = arith.subf %sub3A_222, %mul3A_220 : vector<16xf32>
    %mul3A_224 = arith.mulf %bitcast_convert_type3A_215, %sub3A_223 : vector<16xf32>
    %mul3A_225 = arith.constant 5.000000e-01 : f32
    %mul3A_226 = vector.broadcast %mul3A_225 : f32 to vector<16xf32>
    %mul3A_227 = arith.mulf %mul3A_226, %add3A_207 : vector<16xf32>
    %mul3A_228 = arith.mulf %mul3A_227, %mul3A_224 : vector<16xf32>
    %mul3A_229 = arith.mulf %mul3A_228, %mul3A_224 : vector<16xf32>
    %sub3A_230 = arith.constant 1.500000e+00 : f32
    %sub3A_231 = vector.broadcast %sub3A_230 : f32 to vector<16xf32>
    %sub3A_232 = arith.subf %sub3A_231, %mul3A_229 : vector<16xf32>
    %mul3A_233 = arith.mulf %mul3A_224, %sub3A_232 : vector<16xf32>
    %mul3A_234 = arith.constant 5.000000e-01 : f32
    %mul3A_235 = vector.broadcast %mul3A_234 : f32 to vector<16xf32>
    %mul3A_236 = arith.mulf %mul3A_235, %add3A_207 : vector<16xf32>
    %mul3A_237 = arith.mulf %mul3A_236, %mul3A_233 : vector<16xf32>
    %mul3A_238 = arith.mulf %mul3A_237, %mul3A_233 : vector<16xf32>
    %sub3A_239 = arith.constant 1.500000e+00 : f32
    %sub3A_240 = vector.broadcast %sub3A_239 : f32 to vector<16xf32>
    %sub3A_241 = arith.subf %sub3A_240, %mul3A_238 : vector<16xf32>
    %mul3A_242 = arith.mulf %mul3A_233, %sub3A_241 : vector<16xf32>
    %mul3A_243 = arith.mulf %add3A_207, %mul3A_242 : vector<16xf32>
    %add3A_244 = arith.addf %add3A_198, %mul3A_243 : vector<16xf32>
    %swap3A = arith.constant 0 : index
    %swap3A_245 = tpu.vector_load %arg5[%swap3A] {strides = array<i32>} : memref<32xf32, #tpu.memory_space<vmem>>, vector<16xf32>,
    %swap3A_246 = vector.shape_cast %swap3A_245 : vector<16xf32> to vector<16xf32>
    %swap3A_247 = vector.shape_cast %add3A_244 : vector<16xf32> to vector<16xf32>
    tpu.vector_store %arg5[%swap3A], %swap3A_247 {strides = array<i32>} : memref<32xf32, #tpu.memory_space<vmem>>, vector<16xf32>,
    %broadcast_in_dim3A_248 = arith.constant 0xFF800000 : f32
    %broadcast_in_dim3A_249 = vector.broadcast %broadcast_in_dim3A_248 : f32 to vector<16xf32>
    %scan3A_250 = arith.constant 0 : i32
    %scan3A_251 = arith.constant 160 : i32
    %scan3A_252 = arith.addi %scan3A_250, %scan3A_251 : i32
    %scan3A_253 = arith.constant 1 : i32
    %scan3A_254:5 = scf.for %scan3A_492 = %scan3A_250 to %scan3A_252 step %scan3A_253 iter_args(%scan3A_493 = %broadcast_in_dim3A_249, %scan3A_494 = %broadcast_in_dim3A_249, %scan3A_495 = %broadcast_in_dim3A_249, %scan3A_496 = %broadcast_in_dim3A_249, %scan3A_497 = %broadcast_in_dim3A_249) -> (vector<16xf32>, vector<16xf32>, vector<16xf32>, vector<16xf32>, vector<16xf32>)  : i32 {
      %mul3A_498 = arith.constant 4 : i32
      %mul3A_499 = arith.muli %mul3A_498, %scan3A_492 : i32
      %add3A_500 = arith.constant 0 : i32
      %add3A_501 = arith.addi %mul3A_499, %add3A_500 : i32
      %get3A = arith.constant 1 : i32
      %get3A_502 = arith.index_cast %get3A : i32 to index
      %get3A_503 = arith.index_cast %add3A_501 : i32 to index
      %get3A_504 = arith.constant 0 : index
      %get3A_505 = tpu.vector_load %arg4[%get3A_502, %get3A_503, %get3A_504] {strides = array<i32>} : memref<2x640x16xf32, #tpu.memory_space<vmem>>, vector<1x1x16xf32>,
      %get3A_506 = vector.shape_cast %get3A_505 : vector<1x1x16xf32> to vector<16xf32>
      %mul3A_507 = arith.constant 4 : i32
      %mul3A_508 = arith.muli %mul3A_507, %scan3A_492 : i32
      %add3A_509 = arith.constant 1 : i32
      %add3A_510 = arith.addi %mul3A_508, %add3A_509 : i32
      %get3A_511 = arith.constant 1 : i32
      %get3A_512 = arith.index_cast %get3A_511 : i32 to index
      %get3A_513 = arith.index_cast %add3A_510 : i32 to index
      %get3A_514 = arith.constant 0 : index
      %get3A_515 = tpu.vector_load %arg4[%get3A_512, %get3A_513, %get3A_514] {strides = array<i32>} : memref<2x640x16xf32, #tpu.memory_space<vmem>>, vector<1x1x16xf32>,
      %get3A_516 = vector.shape_cast %get3A_515 : vector<1x1x16xf32> to vector<16xf32>
      %mul3A_517 = arith.constant 4 : i32
      %mul3A_518 = arith.muli %mul3A_517, %scan3A_492 : i32
      %add3A_519 = arith.constant 2 : i32
      %add3A_520 = arith.addi %mul3A_518, %add3A_519 : i32
      %get3A_521 = arith.constant 1 : i32
      %get3A_522 = arith.index_cast %get3A_521 : i32 to index
      %get3A_523 = arith.index_cast %add3A_520 : i32 to index
      %get3A_524 = arith.constant 0 : index
      %get3A_525 = tpu.vector_load %arg4[%get3A_522, %get3A_523, %get3A_524] {strides = array<i32>} : memref<2x640x16xf32, #tpu.memory_space<vmem>>, vector<1x1x16xf32>,
      %get3A_526 = vector.shape_cast %get3A_525 : vector<1x1x16xf32> to vector<16xf32>
      %mul3A_527 = arith.constant 4 : i32
      %mul3A_528 = arith.muli %mul3A_527, %scan3A_492 : i32
      %add3A_529 = arith.constant 3 : i32
      %add3A_530 = arith.addi %mul3A_528, %add3A_529 : i32
      %get3A_531 = arith.constant 1 : i32
      %get3A_532 = arith.index_cast %get3A_531 : i32 to index
      %get3A_533 = arith.index_cast %add3A_530 : i32 to index
      %get3A_534 = arith.constant 0 : index
      %get3A_535 = tpu.vector_load %arg4[%get3A_532, %get3A_533, %get3A_534] {strides = array<i32>} : memref<2x640x16xf32, #tpu.memory_space<vmem>>, vector<1x1x16xf32>,
      %get3A_536 = vector.shape_cast %get3A_535 : vector<1x1x16xf32> to vector<16xf32>
      %max3A_537 = arith.maximumf %get3A_506, %get3A_516 : vector<16xf32>
      %min3A = arith.minimumf %get3A_506, %get3A_516 : vector<16xf32>
      %max3A_538 = arith.maximumf %get3A_526, %get3A_536 : vector<16xf32>
      %min3A_539 = arith.minimumf %get3A_526, %get3A_536 : vector<16xf32>
      %max3A_540 = arith.maximumf %max3A_537, %max3A_538 : vector<16xf32>
      %min3A_541 = arith.minimumf %max3A_537, %max3A_538 : vector<16xf32>
      %max3A_542 = arith.maximumf %min3A, %min3A_539 : vector<16xf32>
      %min3A_543 = arith.minimumf %min3A, %min3A_539 : vector<16xf32>
      %max3A_544 = arith.maximumf %max3A_542, %min3A_541 : vector<16xf32>
      %min3A_545 = arith.minimumf %max3A_542, %min3A_541 : vector<16xf32>
      %max3A_546 = arith.maximumf %scan3A_494, %min3A_543 : vector<16xf32>
      %max3A_547 = arith.maximumf %scan3A_495, %min3A_545 : vector<16xf32>
      %max3A_548 = arith.maximumf %scan3A_496, %max3A_544 : vector<16xf32>
      %max3A_549 = arith.maximumf %scan3A_497, %max3A_540 : vector<16xf32>
      %max3A_550 = arith.maximumf %scan3A_493, %max3A_549 : vector<16xf32>
      %min3A_551 = arith.minimumf %scan3A_493, %max3A_549 : vector<16xf32>
      %max3A_552 = arith.maximumf %max3A_546, %max3A_548 : vector<16xf32>
      %min3A_553 = arith.minimumf %max3A_546, %max3A_548 : vector<16xf32>
      %max3A_554 = arith.maximumf %max3A_547, %min3A_551 : vector<16xf32>
      %min3A_555 = arith.minimumf %max3A_547, %min3A_551 : vector<16xf32>
      %max3A_556 = arith.maximumf %max3A_552, %max3A_554 : vector<16xf32>
      %min3A_557 = arith.minimumf %max3A_552, %max3A_554 : vector<16xf32>
      %max3A_558 = arith.maximumf %min3A_553, %min3A_555 : vector<16xf32>
      %min3A_559 = arith.minimumf %min3A_553, %min3A_555 : vector<16xf32>
      scf.yield %max3A_550, %max3A_556, %min3A_557, %max3A_558, %min3A_559 : vector<16xf32>, vector<16xf32>, vector<16xf32>, vector<16xf32>, vector<16xf32>
    }
    %scan3A_255 = arith.constant 160 : i32
    %broadcast_in_dim3A_256 = arith.constant 0.000000e+00 : f32
    %broadcast_in_dim3A_257 = vector.broadcast %broadcast_in_dim3A_256 : f32 to vector<16xf32>
    %neg3A_258 = arith.constant 0.000000e+00 : f32
    %neg3A_259 = vector.broadcast %neg3A_258 : f32 to vector<16xf32>
    %neg3A_260 = arith.subf %neg3A_259, %scan3A_254#0 : vector<16xf32>
    %max3A_261 = arith.constant 0.000000e+00 : f32
    %max3A_262 = vector.broadcast %max3A_261 : f32 to vector<16xf32>
    %max3A_263 = arith.maximumf %neg3A_260, %max3A_262 : vector<16xf32>
    %add3A_264 = arith.constant 9.99999996E-13 : f32
    %add3A_265 = vector.broadcast %add3A_264 : f32 to vector<16xf32>
    %add3A_266 = arith.addf %max3A_263, %add3A_265 : vector<16xf32>
    %bitcast_convert_type3A_267 = tpu.bitcast %add3A_266 : vector<16xf32> -> vector<16xi32>
    %shift_right_arithmetic3A_268 = arith.constant 1 : i32
    %shift_right_arithmetic3A_269 = vector.broadcast %shift_right_arithmetic3A_268 : i32 to vector<16xi32>
    %shift_right_arithmetic3A_270 = arith.shrsi %bitcast_convert_type3A_267, %shift_right_arithmetic3A_269 : vector<16xi32>
    %sub3A_271 = arith.constant 1597463007 : i32
    %sub3A_272 = vector.broadcast %sub3A_271 : i32 to vector<16xi32>
    %sub3A_273 = arith.subi %sub3A_272, %shift_right_arithmetic3A_270 : vector<16xi32>
    %bitcast_convert_type3A_274 = tpu.bitcast %sub3A_273 : vector<16xi32> -> vector<16xf32>
    %mul3A_275 = arith.constant 5.000000e-01 : f32
    %mul3A_276 = vector.broadcast %mul3A_275 : f32 to vector<16xf32>
    %mul3A_277 = arith.mulf %mul3A_276, %add3A_266 : vector<16xf32>
    %mul3A_278 = arith.mulf %mul3A_277, %bitcast_convert_type3A_274 : vector<16xf32>
    %mul3A_279 = arith.mulf %mul3A_278, %bitcast_convert_type3A_274 : vector<16xf32>
    %sub3A_280 = arith.constant 1.500000e+00 : f32
    %sub3A_281 = vector.broadcast %sub3A_280 : f32 to vector<16xf32>
    %sub3A_282 = arith.subf %sub3A_281, %mul3A_279 : vector<16xf32>
    %mul3A_283 = arith.mulf %bitcast_convert_type3A_274, %sub3A_282 : vector<16xf32>
    %mul3A_284 = arith.constant 5.000000e-01 : f32
    %mul3A_285 = vector.broadcast %mul3A_284 : f32 to vector<16xf32>
    %mul3A_286 = arith.mulf %mul3A_285, %add3A_266 : vector<16xf32>
    %mul3A_287 = arith.mulf %mul3A_286, %mul3A_283 : vector<16xf32>
    %mul3A_288 = arith.mulf %mul3A_287, %mul3A_283 : vector<16xf32>
    %sub3A_289 = arith.constant 1.500000e+00 : f32
    %sub3A_290 = vector.broadcast %sub3A_289 : f32 to vector<16xf32>
    %sub3A_291 = arith.subf %sub3A_290, %mul3A_288 : vector<16xf32>
    %mul3A_292 = arith.mulf %mul3A_283, %sub3A_291 : vector<16xf32>
    %mul3A_293 = arith.constant 5.000000e-01 : f32
    %mul3A_294 = vector.broadcast %mul3A_293 : f32 to vector<16xf32>
    %mul3A_295 = arith.mulf %mul3A_294, %add3A_266 : vector<16xf32>
    %mul3A_296 = arith.mulf %mul3A_295, %mul3A_292 : vector<16xf32>
    %mul3A_297 = arith.mulf %mul3A_296, %mul3A_292 : vector<16xf32>
    %sub3A_298 = arith.constant 1.500000e+00 : f32
    %sub3A_299 = vector.broadcast %sub3A_298 : f32 to vector<16xf32>
    %sub3A_300 = arith.subf %sub3A_299, %mul3A_297 : vector<16xf32>
    %mul3A_301 = arith.mulf %mul3A_292, %sub3A_300 : vector<16xf32>
    %mul3A_302 = arith.mulf %add3A_266, %mul3A_301 : vector<16xf32>
    %add3A_303 = arith.addf %broadcast_in_dim3A_257, %mul3A_302 : vector<16xf32>
    %neg3A_304 = arith.constant 0.000000e+00 : f32
    %neg3A_305 = vector.broadcast %neg3A_304 : f32 to vector<16xf32>
    %neg3A_306 = arith.subf %neg3A_305, %scan3A_254#1 : vector<16xf32>
    %max3A_307 = arith.constant 0.000000e+00 : f32
    %max3A_308 = vector.broadcast %max3A_307 : f32 to vector<16xf32>
    %max3A_309 = arith.maximumf %neg3A_306, %max3A_308 : vector<16xf32>
    %add3A_310 = arith.constant 9.99999996E-13 : f32
    %add3A_311 = vector.broadcast %add3A_310 : f32 to vector<16xf32>
    %add3A_312 = arith.addf %max3A_309, %add3A_311 : vector<16xf32>
    %bitcast_convert_type3A_313 = tpu.bitcast %add3A_312 : vector<16xf32> -> vector<16xi32>
    %shift_right_arithmetic3A_314 = arith.constant 1 : i32
    %shift_right_arithmetic3A_315 = vector.broadcast %shift_right_arithmetic3A_314 : i32 to vector<16xi32>
    %shift_right_arithmetic3A_316 = arith.shrsi %bitcast_convert_type3A_313, %shift_right_arithmetic3A_315 : vector<16xi32>
    %sub3A_317 = arith.constant 1597463007 : i32
    %sub3A_318 = vector.broadcast %sub3A_317 : i32 to vector<16xi32>
    %sub3A_319 = arith.subi %sub3A_318, %shift_right_arithmetic3A_316 : vector<16xi32>
    %bitcast_convert_type3A_320 = tpu.bitcast %sub3A_319 : vector<16xi32> -> vector<16xf32>
    %mul3A_321 = arith.constant 5.000000e-01 : f32
    %mul3A_322 = vector.broadcast %mul3A_321 : f32 to vector<16xf32>
    %mul3A_323 = arith.mulf %mul3A_322, %add3A_312 : vector<16xf32>
    %mul3A_324 = arith.mulf %mul3A_323, %bitcast_convert_type3A_320 : vector<16xf32>
    %mul3A_325 = arith.mulf %mul3A_324, %bitcast_convert_type3A_320 : vector<16xf32>
    %sub3A_326 = arith.constant 1.500000e+00 : f32
    %sub3A_327 = vector.broadcast %sub3A_326 : f32 to vector<16xf32>
    %sub3A_328 = arith.subf %sub3A_327, %mul3A_325 : vector<16xf32>
    %mul3A_329 = arith.mulf %bitcast_convert_type3A_320, %sub3A_328 : vector<16xf32>
    %mul3A_330 = arith.constant 5.000000e-01 : f32
    %mul3A_331 = vector.broadcast %mul3A_330 : f32 to vector<16xf32>
    %mul3A_332 = arith.mulf %mul3A_331, %add3A_312 : vector<16xf32>
    %mul3A_333 = arith.mulf %mul3A_332, %mul3A_329 : vector<16xf32>
    %mul3A_334 = arith.mulf %mul3A_333, %mul3A_329 : vector<16xf32>
    %sub3A_335 = arith.constant 1.500000e+00 : f32
    %sub3A_336 = vector.broadcast %sub3A_335 : f32 to vector<16xf32>
    %sub3A_337 = arith.subf %sub3A_336, %mul3A_334 : vector<16xf32>
    %mul3A_338 = arith.mulf %mul3A_329, %sub3A_337 : vector<16xf32>
    %mul3A_339 = arith.constant 5.000000e-01 : f32
    %mul3A_340 = vector.broadcast %mul3A_339 : f32 to vector<16xf32>
    %mul3A_341 = arith.mulf %mul3A_340, %add3A_312 : vector<16xf32>
    %mul3A_342 = arith.mulf %mul3A_341, %mul3A_338 : vector<16xf32>
    %mul3A_343 = arith.mulf %mul3A_342, %mul3A_338 : vector<16xf32>
    %sub3A_344 = arith.constant 1.500000e+00 : f32
    %sub3A_345 = vector.broadcast %sub3A_344 : f32 to vector<16xf32>
    %sub3A_346 = arith.subf %sub3A_345, %mul3A_343 : vector<16xf32>
    %mul3A_347 = arith.mulf %mul3A_338, %sub3A_346 : vector<16xf32>
    %mul3A_348 = arith.mulf %add3A_312, %mul3A_347 : vector<16xf32>
    %add3A_349 = arith.addf %add3A_303, %mul3A_348 : vector<16xf32>
    %neg3A_350 = arith.constant 0.000000e+00 : f32
    %neg3A_351 = vector.broadcast %neg3A_350 : f32 to vector<16xf32>
    %neg3A_352 = arith.subf %neg3A_351, %scan3A_254#2 : vector<16xf32>
    %max3A_353 = arith.constant 0.000000e+00 : f32
    %max3A_354 = vector.broadcast %max3A_353 : f32 to vector<16xf32>
    %max3A_355 = arith.maximumf %neg3A_352, %max3A_354 : vector<16xf32>
    %add3A_356 = arith.constant 9.99999996E-13 : f32
    %add3A_357 = vector.broadcast %add3A_356 : f32 to vector<16xf32>
    %add3A_358 = arith.addf %max3A_355, %add3A_357 : vector<16xf32>
    %bitcast_convert_type3A_359 = tpu.bitcast %add3A_358 : vector<16xf32> -> vector<16xi32>
    %shift_right_arithmetic3A_360 = arith.constant 1 : i32
    %shift_right_arithmetic3A_361 = vector.broadcast %shift_right_arithmetic3A_360 : i32 to vector<16xi32>
    %shift_right_arithmetic3A_362 = arith.shrsi %bitcast_convert_type3A_359, %shift_right_arithmetic3A_361 : vector<16xi32>
    %sub3A_363 = arith.constant 1597463007 : i32
    %sub3A_364 = vector.broadcast %sub3A_363 : i32 to vector<16xi32>
    %sub3A_365 = arith.subi %sub3A_364, %shift_right_arithmetic3A_362 : vector<16xi32>
    %bitcast_convert_type3A_366 = tpu.bitcast %sub3A_365 : vector<16xi32> -> vector<16xf32>
    %mul3A_367 = arith.constant 5.000000e-01 : f32
    %mul3A_368 = vector.broadcast %mul3A_367 : f32 to vector<16xf32>
    %mul3A_369 = arith.mulf %mul3A_368, %add3A_358 : vector<16xf32>
    %mul3A_370 = arith.mulf %mul3A_369, %bitcast_convert_type3A_366 : vector<16xf32>
    %mul3A_371 = arith.mulf %mul3A_370, %bitcast_convert_type3A_366 : vector<16xf32>
    %sub3A_372 = arith.constant 1.500000e+00 : f32
    %sub3A_373 = vector.broadcast %sub3A_372 : f32 to vector<16xf32>
    %sub3A_374 = arith.subf %sub3A_373, %mul3A_371 : vector<16xf32>
    %mul3A_375 = arith.mulf %bitcast_convert_type3A_366, %sub3A_374 : vector<16xf32>
    %mul3A_376 = arith.constant 5.000000e-01 : f32
    %mul3A_377 = vector.broadcast %mul3A_376 : f32 to vector<16xf32>
    %mul3A_378 = arith.mulf %mul3A_377, %add3A_358 : vector<16xf32>
    %mul3A_379 = arith.mulf %mul3A_378, %mul3A_375 : vector<16xf32>
    %mul3A_380 = arith.mulf %mul3A_379, %mul3A_375 : vector<16xf32>
    %sub3A_381 = arith.constant 1.500000e+00 : f32
    %sub3A_382 = vector.broadcast %sub3A_381 : f32 to vector<16xf32>
    %sub3A_383 = arith.subf %sub3A_382, %mul3A_380 : vector<16xf32>
    %mul3A_384 = arith.mulf %mul3A_375, %sub3A_383 : vector<16xf32>
    %mul3A_385 = arith.constant 5.000000e-01 : f32
    %mul3A_386 = vector.broadcast %mul3A_385 : f32 to vector<16xf32>
    %mul3A_387 = arith.mulf %mul3A_386, %add3A_358 : vector<16xf32>
    %mul3A_388 = arith.mulf %mul3A_387, %mul3A_384 : vector<16xf32>
    %mul3A_389 = arith.mulf %mul3A_388, %mul3A_384 : vector<16xf32>
    %sub3A_390 = arith.constant 1.500000e+00 : f32
    %sub3A_391 = vector.broadcast %sub3A_390 : f32 to vector<16xf32>
    %sub3A_392 = arith.subf %sub3A_391, %mul3A_389 : vector<16xf32>
    %mul3A_393 = arith.mulf %mul3A_384, %sub3A_392 : vector<16xf32>
    %mul3A_394 = arith.mulf %add3A_358, %mul3A_393 : vector<16xf32>
    %add3A_395 = arith.addf %add3A_349, %mul3A_394 : vector<16xf32>
    %neg3A_396 = arith.constant 0.000000e+00 : f32
    %neg3A_397 = vector.broadcast %neg3A_396 : f32 to vector<16xf32>
    %neg3A_398 = arith.subf %neg3A_397, %scan3A_254#3 : vector<16xf32>
    %max3A_399 = arith.constant 0.000000e+00 : f32
    %max3A_400 = vector.broadcast %max3A_399 : f32 to vector<16xf32>
    %max3A_401 = arith.maximumf %neg3A_398, %max3A_400 : vector<16xf32>
    %add3A_402 = arith.constant 9.99999996E-13 : f32
    %add3A_403 = vector.broadcast %add3A_402 : f32 to vector<16xf32>
    %add3A_404 = arith.addf %max3A_401, %add3A_403 : vector<16xf32>
    %bitcast_convert_type3A_405 = tpu.bitcast %add3A_404 : vector<16xf32> -> vector<16xi32>
    %shift_right_arithmetic3A_406 = arith.constant 1 : i32
    %shift_right_arithmetic3A_407 = vector.broadcast %shift_right_arithmetic3A_406 : i32 to vector<16xi32>
    %shift_right_arithmetic3A_408 = arith.shrsi %bitcast_convert_type3A_405, %shift_right_arithmetic3A_407 : vector<16xi32>
    %sub3A_409 = arith.constant 1597463007 : i32
    %sub3A_410 = vector.broadcast %sub3A_409 : i32 to vector<16xi32>
    %sub3A_411 = arith.subi %sub3A_410, %shift_right_arithmetic3A_408 : vector<16xi32>
    %bitcast_convert_type3A_412 = tpu.bitcast %sub3A_411 : vector<16xi32> -> vector<16xf32>
    %mul3A_413 = arith.constant 5.000000e-01 : f32
    %mul3A_414 = vector.broadcast %mul3A_413 : f32 to vector<16xf32>
    %mul3A_415 = arith.mulf %mul3A_414, %add3A_404 : vector<16xf32>
    %mul3A_416 = arith.mulf %mul3A_415, %bitcast_convert_type3A_412 : vector<16xf32>
    %mul3A_417 = arith.mulf %mul3A_416, %bitcast_convert_type3A_412 : vector<16xf32>
    %sub3A_418 = arith.constant 1.500000e+00 : f32
    %sub3A_419 = vector.broadcast %sub3A_418 : f32 to vector<16xf32>
    %sub3A_420 = arith.subf %sub3A_419, %mul3A_417 : vector<16xf32>
    %mul3A_421 = arith.mulf %bitcast_convert_type3A_412, %sub3A_420 : vector<16xf32>
    %mul3A_422 = arith.constant 5.000000e-01 : f32
    %mul3A_423 = vector.broadcast %mul3A_422 : f32 to vector<16xf32>
    %mul3A_424 = arith.mulf %mul3A_423, %add3A_404 : vector<16xf32>
    %mul3A_425 = arith.mulf %mul3A_424, %mul3A_421 : vector<16xf32>
    %mul3A_426 = arith.mulf %mul3A_425, %mul3A_421 : vector<16xf32>
    %sub3A_427 = arith.constant 1.500000e+00 : f32
    %sub3A_428 = vector.broadcast %sub3A_427 : f32 to vector<16xf32>
    %sub3A_429 = arith.subf %sub3A_428, %mul3A_426 : vector<16xf32>
    %mul3A_430 = arith.mulf %mul3A_421, %sub3A_429 : vector<16xf32>
    %mul3A_431 = arith.constant 5.000000e-01 : f32
    %mul3A_432 = vector.broadcast %mul3A_431 : f32 to vector<16xf32>
    %mul3A_433 = arith.mulf %mul3A_432, %add3A_404 : vector<16xf32>
    %mul3A_434 = arith.mulf %mul3A_433, %mul3A_430 : vector<16xf32>
    %mul3A_435 = arith.mulf %mul3A_434, %mul3A_430 : vector<16xf32>
    %sub3A_436 = arith.constant 1.500000e+00 : f32
    %sub3A_437 = vector.broadcast %sub3A_436 : f32 to vector<16xf32>
    %sub3A_438 = arith.subf %sub3A_437, %mul3A_435 : vector<16xf32>
    %mul3A_439 = arith.mulf %mul3A_430, %sub3A_438 : vector<16xf32>
    %mul3A_440 = arith.mulf %add3A_404, %mul3A_439 : vector<16xf32>
    %add3A_441 = arith.addf %add3A_395, %mul3A_440 : vector<16xf32>
    %neg3A_442 = arith.constant 0.000000e+00 : f32
    %neg3A_443 = vector.broadcast %neg3A_442 : f32 to vector<16xf32>
    %neg3A_444 = arith.subf %neg3A_443, %scan3A_254#4 : vector<16xf32>
    %max3A_445 = arith.constant 0.000000e+00 : f32
    %max3A_446 = vector.broadcast %max3A_445 : f32 to vector<16xf32>
    %max3A_447 = arith.maximumf %neg3A_444, %max3A_446 : vector<16xf32>
    %add3A_448 = arith.constant 9.99999996E-13 : f32
    %add3A_449 = vector.broadcast %add3A_448 : f32 to vector<16xf32>
    %add3A_450 = arith.addf %max3A_447, %add3A_449 : vector<16xf32>
    %bitcast_convert_type3A_451 = tpu.bitcast %add3A_450 : vector<16xf32> -> vector<16xi32>
    %shift_right_arithmetic3A_452 = arith.constant 1 : i32
    %shift_right_arithmetic3A_453 = vector.broadcast %shift_right_arithmetic3A_452 : i32 to vector<16xi32>
    %shift_right_arithmetic3A_454 = arith.shrsi %bitcast_convert_type3A_451, %shift_right_arithmetic3A_453 : vector<16xi32>
    %sub3A_455 = arith.constant 1597463007 : i32
    %sub3A_456 = vector.broadcast %sub3A_455 : i32 to vector<16xi32>
    %sub3A_457 = arith.subi %sub3A_456, %shift_right_arithmetic3A_454 : vector<16xi32>
    %bitcast_convert_type3A_458 = tpu.bitcast %sub3A_457 : vector<16xi32> -> vector<16xf32>
    %mul3A_459 = arith.constant 5.000000e-01 : f32
    %mul3A_460 = vector.broadcast %mul3A_459 : f32 to vector<16xf32>
    %mul3A_461 = arith.mulf %mul3A_460, %add3A_450 : vector<16xf32>
    %mul3A_462 = arith.mulf %mul3A_461, %bitcast_convert_type3A_458 : vector<16xf32>
    %mul3A_463 = arith.mulf %mul3A_462, %bitcast_convert_type3A_458 : vector<16xf32>
    %sub3A_464 = arith.constant 1.500000e+00 : f32
    %sub3A_465 = vector.broadcast %sub3A_464 : f32 to vector<16xf32>
    %sub3A_466 = arith.subf %sub3A_465, %mul3A_463 : vector<16xf32>
    %mul3A_467 = arith.mulf %bitcast_convert_type3A_458, %sub3A_466 : vector<16xf32>
    %mul3A_468 = arith.constant 5.000000e-01 : f32
    %mul3A_469 = vector.broadcast %mul3A_468 : f32 to vector<16xf32>
    %mul3A_470 = arith.mulf %mul3A_469, %add3A_450 : vector<16xf32>
    %mul3A_471 = arith.mulf %mul3A_470, %mul3A_467 : vector<16xf32>
    %mul3A_472 = arith.mulf %mul3A_471, %mul3A_467 : vector<16xf32>
    %sub3A_473 = arith.constant 1.500000e+00 : f32
    %sub3A_474 = vector.broadcast %sub3A_473 : f32 to vector<16xf32>
    %sub3A_475 = arith.subf %sub3A_474, %mul3A_472 : vector<16xf32>
    %mul3A_476 = arith.mulf %mul3A_467, %sub3A_475 : vector<16xf32>
    %mul3A_477 = arith.constant 5.000000e-01 : f32
    %mul3A_478 = vector.broadcast %mul3A_477 : f32 to vector<16xf32>
    %mul3A_479 = arith.mulf %mul3A_478, %add3A_450 : vector<16xf32>
    %mul3A_480 = arith.mulf %mul3A_479, %mul3A_476 : vector<16xf32>
    %mul3A_481 = arith.mulf %mul3A_480, %mul3A_476 : vector<16xf32>
    %sub3A_482 = arith.constant 1.500000e+00 : f32
    %sub3A_483 = vector.broadcast %sub3A_482 : f32 to vector<16xf32>
    %sub3A_484 = arith.subf %sub3A_483, %mul3A_481 : vector<16xf32>
    %mul3A_485 = arith.mulf %mul3A_476, %sub3A_484 : vector<16xf32>
    %mul3A_486 = arith.mulf %add3A_450, %mul3A_485 : vector<16xf32>
    %add3A_487 = arith.addf %add3A_441, %mul3A_486 : vector<16xf32>
    %swap3A_488 = arith.constant 16 : index
    %swap3A_489 = tpu.vector_load %arg5[%swap3A_488] {strides = array<i32>} : memref<32xf32, #tpu.memory_space<vmem>>, vector<16xf32>,
    %swap3A_490 = vector.shape_cast %swap3A_489 : vector<16xf32> to vector<16xf32>
    %swap3A_491 = vector.shape_cast %add3A_487 : vector<16xf32> to vector<16xf32>
    tpu.vector_store %arg5[%swap3A_488], %swap3A_491 {strides = array<i32>} : memref<32xf32, #tpu.memory_space<vmem>>, vector<16xf32>,
    "tpu.region"() ({
      %run_scoped3A_492 = tpu.sem_alloc : memref<!tpu.dma_semaphore, #tpu.memory_space<semaphore_mem>>
      %dma_start3A = tpu.memref_slice %arg3[%mul3A_2] : memref<1024xf32, #tpu.memory_space<hbm>> -> memref<32xf32, #tpu.memory_space<hbm>>
      %dma_start3A_493 = tpu.memref_slice %arg3[%mul3A_2] : memref<1024xf32, #tpu.memory_space<hbm>> -> memref<32xf32, #tpu.memory_space<hbm>>
      tpu.enqueue_dma source(%arg5 : memref<32xf32, #tpu.memory_space<vmem>>) target(%dma_start3A_493 : memref<32xf32, #tpu.memory_space<hbm>>) target_semaphore(%run_scoped3A_492 : memref<!tpu.dma_semaphore, #tpu.memory_space<semaphore_mem>>)
      %dma_wait3A = tpu.memref_slice %arg3[%mul3A_2] : memref<1024xf32, #tpu.memory_space<hbm>> -> memref<32xf32, #tpu.memory_space<hbm>>
      %dma_wait3A_494 = tpu.memref_slice %arg3[%mul3A_2] : memref<1024xf32, #tpu.memory_space<hbm>> -> memref<32xf32, #tpu.memory_space<hbm>>
      tpu.wait_dma2 semaphore(%run_scoped3A_492 : memref<!tpu.dma_semaphore, #tpu.memory_space<semaphore_mem>>) src(%arg5 : memref<32xf32, #tpu.memory_space<vmem>>) dst(%dma_wait3A_494 : memref<32xf32, #tpu.memory_space<hbm>>)
      tpu.yield
    }) : () -> ()
    return
  }
}

module attributes {stable_mosaic.version = 14 : i64} {
  func.func @_tc_body(%arg0: i32, %arg1: memref<1024x768xbf16, #tpu.memory_space<vmem>>, %arg2: memref<2048x768xf32, #tpu.memory_space<vmem>>, %arg3: memref<64x640x16xf32, #tpu.memory_space<vmem>>, %arg4: memref<5x1024x128xf32, #tpu.memory_space<vmem>>, %arg5: memref<1024x1024xf32, #tpu.memory_space<vmem>>) attributes {dimension_semantics = [#tpu.dimension_semantics<arbitrary>], iteration_bounds = array<i64: 33>, scalar_prefetch = 0 : i64, scratch_operands = 2 : i64, tpu.core_type = #tpu.core_type<tc>, window_params = [{pipeline_mode = #tpu.pipeline_mode<synchronous>, transform_indices = @transform_0, window_bounds = array<i64: 1024, 768>}, {transform_indices = @transform_1, window_bounds = array<i64: 2048, 768>}, {pipeline_mode = #tpu.pipeline_mode<synchronous>, transform_indices = @transform_2, window_bounds = array<i64: 64, 640, 16>}]} {
    %eq3A = arith.constant 0 : i32
    %eq3A_0 = arith.cmpi eq, %arg0, %eq3A : i32
    %convert_element_type3A = arith.extui %eq3A_0 : i1 to i32
    %cond3A = arith.constant 0 : i32
    %cond3A_1 = arith.cmpi ne, %convert_element_type3A, %cond3A : i32
    scf.if %cond3A_1 {
      %broadcast_in_dim3A = arith.constant 0xFF800000 : f32
      %broadcast_in_dim3A_11 = vector.broadcast %broadcast_in_dim3A : f32 to vector<5x1024x128xf32>
      %swap3A = arith.constant 0 : index
      %swap3A_12 = arith.constant 0 : index
      %swap3A_13 = arith.constant 0 : index
      %swap3A_14 = vector.load %arg4[%swap3A, %swap3A_12, %swap3A_13] : memref<5x1024x128xf32, #tpu.memory_space<vmem>>, vector<5x1024x128xf32>
      tpu.vector_store %arg4[%swap3A, %swap3A_12, %swap3A_13], %broadcast_in_dim3A_11 {strides = array<i32>} : memref<5x1024x128xf32, #tpu.memory_space<vmem>>, vector<5x1024x128xf32>,
      %broadcast_in_dim3A_15 = arith.constant 0xFF800000 : f32
      %broadcast_in_dim3A_16 = vector.broadcast %broadcast_in_dim3A_15 : f32 to vector<1024x1024xf32>
      %swap3A_17 = arith.constant 0 : index
      %swap3A_18 = arith.constant 0 : index
      %swap3A_19 = vector.load %arg5[%swap3A_17, %swap3A_18] : memref<1024x1024xf32, #tpu.memory_space<vmem>>, vector<1024x1024xf32>
      tpu.vector_store %arg5[%swap3A_17, %swap3A_18], %broadcast_in_dim3A_16 {strides = array<i32>} : memref<1024x1024xf32, #tpu.memory_space<vmem>>, vector<1024x1024xf32>,
    } else {
    }
    %lt3A = arith.constant 32 : i32
    %lt3A_2 = arith.cmpi slt, %arg0, %lt3A : i32
    %convert_element_type3A_3 = arith.extui %lt3A_2 : i1 to i32
    %cond3A_4 = arith.constant 0 : i32
    %cond3A_5 = arith.cmpi ne, %convert_element_type3A_3, %cond3A_4 : i32
    scf.if %cond3A_5 {
      %get3A = arith.constant 0 : index
      %get3A_11 = arith.constant 0 : index
      %get3A_12 = vector.load %arg1[%get3A, %get3A_11] : memref<1024x768xbf16, #tpu.memory_space<vmem>>, vector<1024x768xbf16>
      %get3A_13 = arith.constant 0 : index
      %get3A_14 = arith.constant 0 : index
      %get3A_15 = arith.constant 0 : index
      %get3A_16 = vector.load %arg4[%get3A_13, %get3A_14, %get3A_15] : memref<5x1024x128xf32, #tpu.memory_space<vmem>>, vector<1x1024x128xf32>
      %get3A_17 = vector.shape_cast %get3A_16 : vector<1x1024x128xf32> to vector<1024x128xf32>
      %get3A_18 = arith.constant 1 : index
      %get3A_19 = arith.constant 0 : index
      %get3A_20 = arith.constant 0 : index
      %get3A_21 = vector.load %arg4[%get3A_18, %get3A_19, %get3A_20] : memref<5x1024x128xf32, #tpu.memory_space<vmem>>, vector<1x1024x128xf32>
      %get3A_22 = vector.shape_cast %get3A_21 : vector<1x1024x128xf32> to vector<1024x128xf32>
      %get3A_23 = arith.constant 2 : index
      %get3A_24 = arith.constant 0 : index
      %get3A_25 = arith.constant 0 : index
      %get3A_26 = vector.load %arg4[%get3A_23, %get3A_24, %get3A_25] : memref<5x1024x128xf32, #tpu.memory_space<vmem>>, vector<1x1024x128xf32>
      %get3A_27 = vector.shape_cast %get3A_26 : vector<1x1024x128xf32> to vector<1024x128xf32>
      %get3A_28 = arith.constant 3 : index
      %get3A_29 = arith.constant 0 : index
      %get3A_30 = arith.constant 0 : index
      %get3A_31 = vector.load %arg4[%get3A_28, %get3A_29, %get3A_30] : memref<5x1024x128xf32, #tpu.memory_space<vmem>>, vector<1x1024x128xf32>
      %get3A_32 = vector.shape_cast %get3A_31 : vector<1x1024x128xf32> to vector<1024x128xf32>
      %get3A_33 = arith.constant 4 : index
      %get3A_34 = arith.constant 0 : index
      %get3A_35 = arith.constant 0 : index
      %get3A_36 = vector.load %arg4[%get3A_33, %get3A_34, %get3A_35] : memref<5x1024x128xf32, #tpu.memory_space<vmem>>, vector<1x1024x128xf32>
      %get3A_37 = vector.shape_cast %get3A_36 : vector<1x1024x128xf32> to vector<1024x128xf32>
      %get3A_38 = arith.constant 0 : index
      %get3A_39 = arith.constant 0 : index
      %get3A_40 = vector.load %arg5[%get3A_38, %get3A_39] : memref<1024x1024xf32, #tpu.memory_space<vmem>>, vector<1024x1024xf32>
      %slice3A = vector.extract_strided_slice %get3A_40 {offsets = [0, 0], sizes = [1024, 128], strides = [1, 1]} : vector<1024x1024xf32> to vector<1024x128xf32>
      %slice3A_41 = vector.extract_strided_slice %get3A_40 {offsets = [0, 128], sizes = [1024, 128], strides = [1, 1]} : vector<1024x1024xf32> to vector<1024x128xf32>
      %slice3A_42 = vector.extract_strided_slice %get3A_40 {offsets = [0, 256], sizes = [1024, 128], strides = [1, 1]} : vector<1024x1024xf32> to vector<1024x128xf32>
      %slice3A_43 = vector.extract_strided_slice %get3A_40 {offsets = [0, 384], sizes = [1024, 128], strides = [1, 1]} : vector<1024x1024xf32> to vector<1024x128xf32>
      %slice3A_44 = vector.extract_strided_slice %get3A_40 {offsets = [0, 512], sizes = [1024, 128], strides = [1, 1]} : vector<1024x1024xf32> to vector<1024x128xf32>
      %slice3A_45 = vector.extract_strided_slice %get3A_40 {offsets = [0, 640], sizes = [1024, 128], strides = [1, 1]} : vector<1024x1024xf32> to vector<1024x128xf32>
      %slice3A_46 = vector.extract_strided_slice %get3A_40 {offsets = [0, 768], sizes = [1024, 128], strides = [1, 1]} : vector<1024x1024xf32> to vector<1024x128xf32>
      %slice3A_47 = vector.extract_strided_slice %get3A_40 {offsets = [0, 896], sizes = [1024, 128], strides = [1, 1]} : vector<1024x1024xf32> to vector<1024x128xf32>
      %max3A = arith.maximumf %slice3A, %slice3A_41 : vector<1024x128xf32>
      %min3A = arith.minimumf %slice3A, %slice3A_41 : vector<1024x128xf32>
      %max3A_48 = arith.maximumf %slice3A_42, %slice3A_43 : vector<1024x128xf32>
      %min3A_49 = arith.minimumf %slice3A_42, %slice3A_43 : vector<1024x128xf32>
      %max3A_50 = arith.maximumf %max3A, %max3A_48 : vector<1024x128xf32>
      %min3A_51 = arith.minimumf %max3A, %max3A_48 : vector<1024x128xf32>
      %max3A_52 = arith.maximumf %min3A, %min3A_49 : vector<1024x128xf32>
      %min3A_53 = arith.minimumf %min3A, %min3A_49 : vector<1024x128xf32>
      %max3A_54 = arith.maximumf %max3A_52, %min3A_51 : vector<1024x128xf32>
      %min3A_55 = arith.minimumf %max3A_52, %min3A_51 : vector<1024x128xf32>
      %max3A_56 = arith.maximumf %get3A_22, %min3A_53 : vector<1024x128xf32>
      %max3A_57 = arith.maximumf %get3A_27, %min3A_55 : vector<1024x128xf32>
      %max3A_58 = arith.maximumf %get3A_32, %max3A_54 : vector<1024x128xf32>
      %max3A_59 = arith.maximumf %get3A_37, %max3A_50 : vector<1024x128xf32>
      %max3A_60 = arith.maximumf %get3A_17, %max3A_59 : vector<1024x128xf32>
      %min3A_61 = arith.minimumf %get3A_17, %max3A_59 : vector<1024x128xf32>
      %max3A_62 = arith.maximumf %max3A_56, %max3A_58 : vector<1024x128xf32>
      %min3A_63 = arith.minimumf %max3A_56, %max3A_58 : vector<1024x128xf32>
      %max3A_64 = arith.maximumf %max3A_57, %min3A_61 : vector<1024x128xf32>
      %min3A_65 = arith.minimumf %max3A_57, %min3A_61 : vector<1024x128xf32>
      %max3A_66 = arith.maximumf %max3A_62, %max3A_64 : vector<1024x128xf32>
      %min3A_67 = arith.minimumf %max3A_62, %max3A_64 : vector<1024x128xf32>
      %max3A_68 = arith.maximumf %min3A_63, %min3A_65 : vector<1024x128xf32>
      %min3A_69 = arith.minimumf %min3A_63, %min3A_65 : vector<1024x128xf32>
      %max3A_70 = arith.maximumf %slice3A_44, %slice3A_45 : vector<1024x128xf32>
      %min3A_71 = arith.minimumf %slice3A_44, %slice3A_45 : vector<1024x128xf32>
      %max3A_72 = arith.maximumf %slice3A_46, %slice3A_47 : vector<1024x128xf32>
      %min3A_73 = arith.minimumf %slice3A_46, %slice3A_47 : vector<1024x128xf32>
      %max3A_74 = arith.maximumf %max3A_70, %max3A_72 : vector<1024x128xf32>
      %min3A_75 = arith.minimumf %max3A_70, %max3A_72 : vector<1024x128xf32>
      %max3A_76 = arith.maximumf %min3A_71, %min3A_73 : vector<1024x128xf32>
      %min3A_77 = arith.minimumf %min3A_71, %min3A_73 : vector<1024x128xf32>
      %max3A_78 = arith.maximumf %max3A_76, %min3A_75 : vector<1024x128xf32>
      %min3A_79 = arith.minimumf %max3A_76, %min3A_75 : vector<1024x128xf32>
      %max3A_80 = arith.maximumf %max3A_66, %min3A_77 : vector<1024x128xf32>
      %max3A_81 = arith.maximumf %min3A_67, %min3A_79 : vector<1024x128xf32>
      %max3A_82 = arith.maximumf %max3A_68, %max3A_78 : vector<1024x128xf32>
      %max3A_83 = arith.maximumf %min3A_69, %max3A_74 : vector<1024x128xf32>
      %max3A_84 = arith.maximumf %max3A_60, %max3A_83 : vector<1024x128xf32>
      %min3A_85 = arith.minimumf %max3A_60, %max3A_83 : vector<1024x128xf32>
      %max3A_86 = arith.maximumf %max3A_80, %max3A_82 : vector<1024x128xf32>
      %min3A_87 = arith.minimumf %max3A_80, %max3A_82 : vector<1024x128xf32>
      %max3A_88 = arith.maximumf %max3A_81, %min3A_85 : vector<1024x128xf32>
      %min3A_89 = arith.minimumf %max3A_81, %min3A_85 : vector<1024x128xf32>
      %max3A_90 = arith.maximumf %max3A_86, %max3A_88 : vector<1024x128xf32>
      %min3A_91 = arith.minimumf %max3A_86, %max3A_88 : vector<1024x128xf32>
      %max3A_92 = arith.maximumf %min3A_87, %min3A_89 : vector<1024x128xf32>
      %min3A_93 = arith.minimumf %min3A_87, %min3A_89 : vector<1024x128xf32>
      %get3A_94 = arith.constant 0 : index
      %get3A_95 = arith.constant 0 : index
      %get3A_96 = vector.load %arg2[%get3A_94, %get3A_95] : memref<2048x768xf32, #tpu.memory_space<vmem>>, vector<1024x768xf32>
      %convert_element_type3A_97 = arith.truncf %get3A_96 : vector<1024x768xf32> to vector<1024x768xbf16>
      %dot_general3A = arith.constant dense<0.000000e+00> : vector<1024x1024xf32>
      %dot_general3A_98 = tpu.matmul %get3A_12, %convert_element_type3A_97, %dot_general3A {dimension_numbers = #tpu.dot_dimension_numbers<[1], [1], [0], [0], [0, 0, 1, 0], [], []>, transpose_lhs_hint = false} : vector<1024x768xbf16>, vector<1024x768xbf16>, vector<1024x1024xf32> -> vector<1024x1024xf32>
      %mul3A = arith.mulf %get3A_96, %get3A_96 : vector<1024x768xf32>
      %reduce_sum3A = arith.constant dense<0.000000e+00> : vector<1024xf32>
      %reduce_sum3A_99 = vector.multi_reduction <add>, %mul3A, %reduce_sum3A [1] : vector<1024x768xf32> to vector<1024xf32>
      %broadcast_in_dim3A = vector.shape_cast %reduce_sum3A_99 : vector<1024xf32> to vector<1x1024xf32>
      %mul3A_100 = arith.constant 5.000000e-01 : f32
      %mul3A_101 = vector.broadcast %mul3A_100 : f32 to vector<1x1024xf32>
      %mul3A_102 = arith.mulf %mul3A_101, %broadcast_in_dim3A : vector<1x1024xf32>
      %sub3A = vector.broadcast %mul3A_102 : vector<1x1024xf32> to vector<1024x1024xf32>
      %sub3A_103 = arith.subf %dot_general3A_98, %sub3A : vector<1024x1024xf32>
      %slice3A_104 = vector.extract_strided_slice %sub3A_103 {offsets = [0, 0], sizes = [1024, 128], strides = [1, 1]} : vector<1024x1024xf32> to vector<1024x128xf32>
      %slice3A_105 = vector.extract_strided_slice %sub3A_103 {offsets = [0, 128], sizes = [1024, 128], strides = [1, 1]} : vector<1024x1024xf32> to vector<1024x128xf32>
      %slice3A_106 = vector.extract_strided_slice %sub3A_103 {offsets = [0, 256], sizes = [1024, 128], strides = [1, 1]} : vector<1024x1024xf32> to vector<1024x128xf32>
      %slice3A_107 = vector.extract_strided_slice %sub3A_103 {offsets = [0, 384], sizes = [1024, 128], strides = [1, 1]} : vector<1024x1024xf32> to vector<1024x128xf32>
      %slice3A_108 = vector.extract_strided_slice %sub3A_103 {offsets = [0, 512], sizes = [1024, 128], strides = [1, 1]} : vector<1024x1024xf32> to vector<1024x128xf32>
      %slice3A_109 = vector.extract_strided_slice %sub3A_103 {offsets = [0, 640], sizes = [1024, 128], strides = [1, 1]} : vector<1024x1024xf32> to vector<1024x128xf32>
      %slice3A_110 = vector.extract_strided_slice %sub3A_103 {offsets = [0, 768], sizes = [1024, 128], strides = [1, 1]} : vector<1024x1024xf32> to vector<1024x128xf32>
      %slice3A_111 = vector.extract_strided_slice %sub3A_103 {offsets = [0, 896], sizes = [1024, 128], strides = [1, 1]} : vector<1024x1024xf32> to vector<1024x128xf32>
      %max3A_112 = arith.maximumf %slice3A_104, %slice3A_105 : vector<1024x128xf32>
      %min3A_113 = arith.minimumf %slice3A_104, %slice3A_105 : vector<1024x128xf32>
      %max3A_114 = arith.maximumf %slice3A_106, %slice3A_107 : vector<1024x128xf32>
      %min3A_115 = arith.minimumf %slice3A_106, %slice3A_107 : vector<1024x128xf32>
      %max3A_116 = arith.maximumf %max3A_112, %max3A_114 : vector<1024x128xf32>
      %min3A_117 = arith.minimumf %max3A_112, %max3A_114 : vector<1024x128xf32>
      %max3A_118 = arith.maximumf %min3A_113, %min3A_115 : vector<1024x128xf32>
      %min3A_119 = arith.minimumf %min3A_113, %min3A_115 : vector<1024x128xf32>
      %max3A_120 = arith.maximumf %max3A_118, %min3A_117 : vector<1024x128xf32>
      %min3A_121 = arith.minimumf %max3A_118, %min3A_117 : vector<1024x128xf32>
      %max3A_122 = arith.maximumf %max3A_90, %min3A_119 : vector<1024x128xf32>
      %max3A_123 = arith.maximumf %min3A_91, %min3A_121 : vector<1024x128xf32>
      %max3A_124 = arith.maximumf %max3A_92, %max3A_120 : vector<1024x128xf32>
      %max3A_125 = arith.maximumf %min3A_93, %max3A_116 : vector<1024x128xf32>
      %max3A_126 = arith.maximumf %max3A_84, %max3A_125 : vector<1024x128xf32>
      %min3A_127 = arith.minimumf %max3A_84, %max3A_125 : vector<1024x128xf32>
      %max3A_128 = arith.maximumf %max3A_122, %max3A_124 : vector<1024x128xf32>
      %min3A_129 = arith.minimumf %max3A_122, %max3A_124 : vector<1024x128xf32>
      %max3A_130 = arith.maximumf %max3A_123, %min3A_127 : vector<1024x128xf32>
      %min3A_131 = arith.minimumf %max3A_123, %min3A_127 : vector<1024x128xf32>
      %max3A_132 = arith.maximumf %max3A_128, %max3A_130 : vector<1024x128xf32>
      %min3A_133 = arith.minimumf %max3A_128, %max3A_130 : vector<1024x128xf32>
      %max3A_134 = arith.maximumf %min3A_129, %min3A_131 : vector<1024x128xf32>
      %min3A_135 = arith.minimumf %min3A_129, %min3A_131 : vector<1024x128xf32>
      %max3A_136 = arith.maximumf %slice3A_108, %slice3A_109 : vector<1024x128xf32>
      %min3A_137 = arith.minimumf %slice3A_108, %slice3A_109 : vector<1024x128xf32>
      %max3A_138 = arith.maximumf %slice3A_110, %slice3A_111 : vector<1024x128xf32>
      %min3A_139 = arith.minimumf %slice3A_110, %slice3A_111 : vector<1024x128xf32>
      %max3A_140 = arith.maximumf %max3A_136, %max3A_138 : vector<1024x128xf32>
      %min3A_141 = arith.minimumf %max3A_136, %max3A_138 : vector<1024x128xf32>
      %max3A_142 = arith.maximumf %min3A_137, %min3A_139 : vector<1024x128xf32>
      %min3A_143 = arith.minimumf %min3A_137, %min3A_139 : vector<1024x128xf32>
      %max3A_144 = arith.maximumf %max3A_142, %min3A_141 : vector<1024x128xf32>
      %min3A_145 = arith.minimumf %max3A_142, %min3A_141 : vector<1024x128xf32>
      %max3A_146 = arith.maximumf %max3A_132, %min3A_143 : vector<1024x128xf32>
      %max3A_147 = arith.maximumf %min3A_133, %min3A_145 : vector<1024x128xf32>
      %max3A_148 = arith.maximumf %max3A_134, %max3A_144 : vector<1024x128xf32>
      %max3A_149 = arith.maximumf %min3A_135, %max3A_140 : vector<1024x128xf32>
      %max3A_150 = arith.maximumf %max3A_126, %max3A_149 : vector<1024x128xf32>
      %min3A_151 = arith.minimumf %max3A_126, %max3A_149 : vector<1024x128xf32>
      %max3A_152 = arith.maximumf %max3A_146, %max3A_148 : vector<1024x128xf32>
      %min3A_153 = arith.minimumf %max3A_146, %max3A_148 : vector<1024x128xf32>
      %max3A_154 = arith.maximumf %max3A_147, %min3A_151 : vector<1024x128xf32>
      %min3A_155 = arith.minimumf %max3A_147, %min3A_151 : vector<1024x128xf32>
      %max3A_156 = arith.maximumf %max3A_152, %max3A_154 : vector<1024x128xf32>
      %min3A_157 = arith.minimumf %max3A_152, %max3A_154 : vector<1024x128xf32>
      %max3A_158 = arith.maximumf %min3A_153, %min3A_155 : vector<1024x128xf32>
      %min3A_159 = arith.minimumf %min3A_153, %min3A_155 : vector<1024x128xf32>
      %get3A_160 = arith.constant 1024 : index
      %get3A_161 = arith.constant 0 : index
      %get3A_162 = vector.load %arg2[%get3A_160, %get3A_161] : memref<2048x768xf32, #tpu.memory_space<vmem>>, vector<1024x768xf32>
      %convert_element_type3A_163 = arith.truncf %get3A_162 : vector<1024x768xf32> to vector<1024x768xbf16>
      %dot_general3A_164 = arith.constant dense<0.000000e+00> : vector<1024x1024xf32>
      %dot_general3A_165 = tpu.matmul %get3A_12, %convert_element_type3A_163, %dot_general3A_164 {dimension_numbers = #tpu.dot_dimension_numbers<[1], [1], [0], [0], [0, 0, 1, 0], [], []>, transpose_lhs_hint = false} : vector<1024x768xbf16>, vector<1024x768xbf16>, vector<1024x1024xf32> -> vector<1024x1024xf32>
      %mul3A_166 = arith.mulf %get3A_162, %get3A_162 : vector<1024x768xf32>
      %reduce_sum3A_167 = arith.constant dense<0.000000e+00> : vector<1024xf32>
      %reduce_sum3A_168 = vector.multi_reduction <add>, %mul3A_166, %reduce_sum3A_167 [1] : vector<1024x768xf32> to vector<1024xf32>
      %broadcast_in_dim3A_169 = vector.shape_cast %reduce_sum3A_168 : vector<1024xf32> to vector<1x1024xf32>
      %mul3A_170 = arith.constant 5.000000e-01 : f32
      %mul3A_171 = vector.broadcast %mul3A_170 : f32 to vector<1x1024xf32>
      %mul3A_172 = arith.mulf %mul3A_171, %broadcast_in_dim3A_169 : vector<1x1024xf32>
      %sub3A_173 = vector.broadcast %mul3A_172 : vector<1x1024xf32> to vector<1024x1024xf32>
      %sub3A_174 = arith.subf %dot_general3A_165, %sub3A_173 : vector<1024x1024xf32>
      %swap3A = arith.constant 0 : index
      %swap3A_175 = arith.constant 0 : index
      %swap3A_176 = arith.constant 0 : index
      %swap3A_177 = vector.load %arg4[%swap3A, %swap3A_175, %swap3A_176] : memref<5x1024x128xf32, #tpu.memory_space<vmem>>, vector<1x1024x128xf32>
      %swap3A_178 = vector.shape_cast %swap3A_177 : vector<1x1024x128xf32> to vector<1024x128xf32>
      %swap3A_179 = vector.shape_cast %max3A_150 : vector<1024x128xf32> to vector<1x1024x128xf32>
      tpu.vector_store %arg4[%swap3A, %swap3A_175, %swap3A_176], %swap3A_179 {strides = array<i32>} : memref<5x1024x128xf32, #tpu.memory_space<vmem>>, vector<1x1024x128xf32>,
      %swap3A_180 = arith.constant 1 : index
      %swap3A_181 = arith.constant 0 : index
      %swap3A_182 = arith.constant 0 : index
      %swap3A_183 = vector.load %arg4[%swap3A_180, %swap3A_181, %swap3A_182] : memref<5x1024x128xf32, #tpu.memory_space<vmem>>, vector<1x1024x128xf32>
      %swap3A_184 = vector.shape_cast %swap3A_183 : vector<1x1024x128xf32> to vector<1024x128xf32>
      %swap3A_185 = vector.shape_cast %max3A_156 : vector<1024x128xf32> to vector<1x1024x128xf32>
      tpu.vector_store %arg4[%swap3A_180, %swap3A_181, %swap3A_182], %swap3A_185 {strides = array<i32>} : memref<5x1024x128xf32, #tpu.memory_space<vmem>>, vector<1x1024x128xf32>,
      %swap3A_186 = arith.constant 2 : index
      %swap3A_187 = arith.constant 0 : index
      %swap3A_188 = arith.constant 0 : index
      %swap3A_189 = vector.load %arg4[%swap3A_186, %swap3A_187, %swap3A_188] : memref<5x1024x128xf32, #tpu.memory_space<vmem>>, vector<1x1024x128xf32>
      %swap3A_190 = vector.shape_cast %swap3A_189 : vector<1x1024x128xf32> to vector<1024x128xf32>
      %swap3A_191 = vector.shape_cast %min3A_157 : vector<1024x128xf32> to vector<1x1024x128xf32>
      tpu.vector_store %arg4[%swap3A_186, %swap3A_187, %swap3A_188], %swap3A_191 {strides = array<i32>} : memref<5x1024x128xf32, #tpu.memory_space<vmem>>, vector<1x1024x128xf32>,
      %swap3A_192 = arith.constant 3 : index
      %swap3A_193 = arith.constant 0 : index
      %swap3A_194 = arith.constant 0 : index
      %swap3A_195 = vector.load %arg4[%swap3A_192, %swap3A_193, %swap3A_194] : memref<5x1024x128xf32, #tpu.memory_space<vmem>>, vector<1x1024x128xf32>
      %swap3A_196 = vector.shape_cast %swap3A_195 : vector<1x1024x128xf32> to vector<1024x128xf32>
      %swap3A_197 = vector.shape_cast %max3A_158 : vector<1024x128xf32> to vector<1x1024x128xf32>
      tpu.vector_store %arg4[%swap3A_192, %swap3A_193, %swap3A_194], %swap3A_197 {strides = array<i32>} : memref<5x1024x128xf32, #tpu.memory_space<vmem>>, vector<1x1024x128xf32>,
      %swap3A_198 = arith.constant 4 : index
      %swap3A_199 = arith.constant 0 : index
      %swap3A_200 = arith.constant 0 : index
      %swap3A_201 = vector.load %arg4[%swap3A_198, %swap3A_199, %swap3A_200] : memref<5x1024x128xf32, #tpu.memory_space<vmem>>, vector<1x1024x128xf32>
      %swap3A_202 = vector.shape_cast %swap3A_201 : vector<1x1024x128xf32> to vector<1024x128xf32>
      %swap3A_203 = vector.shape_cast %min3A_159 : vector<1024x128xf32> to vector<1x1024x128xf32>
      tpu.vector_store %arg4[%swap3A_198, %swap3A_199, %swap3A_200], %swap3A_203 {strides = array<i32>} : memref<5x1024x128xf32, #tpu.memory_space<vmem>>, vector<1x1024x128xf32>,
      %swap3A_204 = arith.constant 0 : index
      %swap3A_205 = arith.constant 0 : index
      %swap3A_206 = vector.load %arg5[%swap3A_204, %swap3A_205] : memref<1024x1024xf32, #tpu.memory_space<vmem>>, vector<1024x1024xf32>
      tpu.vector_store %arg5[%swap3A_204, %swap3A_205], %sub3A_174 {strides = array<i32>} : memref<1024x1024xf32, #tpu.memory_space<vmem>>, vector<1024x1024xf32>,
    } else {
    }
    %eq3A_6 = arith.constant 32 : i32
    %eq3A_7 = arith.cmpi eq, %arg0, %eq3A_6 : i32
    %convert_element_type3A_8 = arith.extui %eq3A_7 : i1 to i32
    %cond3A_9 = arith.constant 0 : i32
    %cond3A_10 = arith.cmpi ne, %convert_element_type3A_8, %cond3A_9 : i32
    scf.if %cond3A_10 {
      %get3A = arith.constant 0 : index
      %get3A_11 = arith.constant 0 : index
      %get3A_12 = arith.constant 0 : index
      %get3A_13 = vector.load %arg4[%get3A, %get3A_11, %get3A_12] : memref<5x1024x128xf32, #tpu.memory_space<vmem>>, vector<1x1024x128xf32>
      %get3A_14 = vector.shape_cast %get3A_13 : vector<1x1024x128xf32> to vector<1024x128xf32>
      %get3A_15 = arith.constant 1 : index
      %get3A_16 = arith.constant 0 : index
      %get3A_17 = arith.constant 0 : index
      %get3A_18 = vector.load %arg4[%get3A_15, %get3A_16, %get3A_17] : memref<5x1024x128xf32, #tpu.memory_space<vmem>>, vector<1x1024x128xf32>
      %get3A_19 = vector.shape_cast %get3A_18 : vector<1x1024x128xf32> to vector<1024x128xf32>
      %get3A_20 = arith.constant 2 : index
      %get3A_21 = arith.constant 0 : index
      %get3A_22 = arith.constant 0 : index
      %get3A_23 = vector.load %arg4[%get3A_20, %get3A_21, %get3A_22] : memref<5x1024x128xf32, #tpu.memory_space<vmem>>, vector<1x1024x128xf32>
      %get3A_24 = vector.shape_cast %get3A_23 : vector<1x1024x128xf32> to vector<1024x128xf32>
      %get3A_25 = arith.constant 3 : index
      %get3A_26 = arith.constant 0 : index
      %get3A_27 = arith.constant 0 : index
      %get3A_28 = vector.load %arg4[%get3A_25, %get3A_26, %get3A_27] : memref<5x1024x128xf32, #tpu.memory_space<vmem>>, vector<1x1024x128xf32>
      %get3A_29 = vector.shape_cast %get3A_28 : vector<1x1024x128xf32> to vector<1024x128xf32>
      %get3A_30 = arith.constant 4 : index
      %get3A_31 = arith.constant 0 : index
      %get3A_32 = arith.constant 0 : index
      %get3A_33 = vector.load %arg4[%get3A_30, %get3A_31, %get3A_32] : memref<5x1024x128xf32, #tpu.memory_space<vmem>>, vector<1x1024x128xf32>
      %get3A_34 = vector.shape_cast %get3A_33 : vector<1x1024x128xf32> to vector<1024x128xf32>
      %get3A_35 = arith.constant 0 : index
      %get3A_36 = arith.constant 0 : index
      %get3A_37 = vector.load %arg5[%get3A_35, %get3A_36] : memref<1024x1024xf32, #tpu.memory_space<vmem>>, vector<1024x1024xf32>
      %slice3A = vector.extract_strided_slice %get3A_37 {offsets = [0, 0], sizes = [1024, 128], strides = [1, 1]} : vector<1024x1024xf32> to vector<1024x128xf32>
      %slice3A_38 = vector.extract_strided_slice %get3A_37 {offsets = [0, 128], sizes = [1024, 128], strides = [1, 1]} : vector<1024x1024xf32> to vector<1024x128xf32>
      %slice3A_39 = vector.extract_strided_slice %get3A_37 {offsets = [0, 256], sizes = [1024, 128], strides = [1, 1]} : vector<1024x1024xf32> to vector<1024x128xf32>
      %slice3A_40 = vector.extract_strided_slice %get3A_37 {offsets = [0, 384], sizes = [1024, 128], strides = [1, 1]} : vector<1024x1024xf32> to vector<1024x128xf32>
      %slice3A_41 = vector.extract_strided_slice %get3A_37 {offsets = [0, 512], sizes = [1024, 128], strides = [1, 1]} : vector<1024x1024xf32> to vector<1024x128xf32>
      %slice3A_42 = vector.extract_strided_slice %get3A_37 {offsets = [0, 640], sizes = [1024, 128], strides = [1, 1]} : vector<1024x1024xf32> to vector<1024x128xf32>
      %slice3A_43 = vector.extract_strided_slice %get3A_37 {offsets = [0, 768], sizes = [1024, 128], strides = [1, 1]} : vector<1024x1024xf32> to vector<1024x128xf32>
      %slice3A_44 = vector.extract_strided_slice %get3A_37 {offsets = [0, 896], sizes = [1024, 128], strides = [1, 1]} : vector<1024x1024xf32> to vector<1024x128xf32>
      %max3A = arith.maximumf %slice3A, %slice3A_38 : vector<1024x128xf32>
      %min3A = arith.minimumf %slice3A, %slice3A_38 : vector<1024x128xf32>
      %max3A_45 = arith.maximumf %slice3A_39, %slice3A_40 : vector<1024x128xf32>
      %min3A_46 = arith.minimumf %slice3A_39, %slice3A_40 : vector<1024x128xf32>
      %max3A_47 = arith.maximumf %max3A, %max3A_45 : vector<1024x128xf32>
      %min3A_48 = arith.minimumf %max3A, %max3A_45 : vector<1024x128xf32>
      %max3A_49 = arith.maximumf %min3A, %min3A_46 : vector<1024x128xf32>
      %min3A_50 = arith.minimumf %min3A, %min3A_46 : vector<1024x128xf32>
      %max3A_51 = arith.maximumf %max3A_49, %min3A_48 : vector<1024x128xf32>
      %min3A_52 = arith.minimumf %max3A_49, %min3A_48 : vector<1024x128xf32>
      %max3A_53 = arith.maximumf %get3A_19, %min3A_50 : vector<1024x128xf32>
      %max3A_54 = arith.maximumf %get3A_24, %min3A_52 : vector<1024x128xf32>
      %max3A_55 = arith.maximumf %get3A_29, %max3A_51 : vector<1024x128xf32>
      %max3A_56 = arith.maximumf %get3A_34, %max3A_47 : vector<1024x128xf32>
      %max3A_57 = arith.maximumf %get3A_14, %max3A_56 : vector<1024x128xf32>
      %min3A_58 = arith.minimumf %get3A_14, %max3A_56 : vector<1024x128xf32>
      %max3A_59 = arith.maximumf %max3A_53, %max3A_55 : vector<1024x128xf32>
      %min3A_60 = arith.minimumf %max3A_53, %max3A_55 : vector<1024x128xf32>
      %max3A_61 = arith.maximumf %max3A_54, %min3A_58 : vector<1024x128xf32>
      %min3A_62 = arith.minimumf %max3A_54, %min3A_58 : vector<1024x128xf32>
      %max3A_63 = arith.maximumf %max3A_59, %max3A_61 : vector<1024x128xf32>
      %min3A_64 = arith.minimumf %max3A_59, %max3A_61 : vector<1024x128xf32>
      %max3A_65 = arith.maximumf %min3A_60, %min3A_62 : vector<1024x128xf32>
      %min3A_66 = arith.minimumf %min3A_60, %min3A_62 : vector<1024x128xf32>
      %max3A_67 = arith.maximumf %slice3A_41, %slice3A_42 : vector<1024x128xf32>
      %min3A_68 = arith.minimumf %slice3A_41, %slice3A_42 : vector<1024x128xf32>
      %max3A_69 = arith.maximumf %slice3A_43, %slice3A_44 : vector<1024x128xf32>
      %min3A_70 = arith.minimumf %slice3A_43, %slice3A_44 : vector<1024x128xf32>
      %max3A_71 = arith.maximumf %max3A_67, %max3A_69 : vector<1024x128xf32>
      %min3A_72 = arith.minimumf %max3A_67, %max3A_69 : vector<1024x128xf32>
      %max3A_73 = arith.maximumf %min3A_68, %min3A_70 : vector<1024x128xf32>
      %min3A_74 = arith.minimumf %min3A_68, %min3A_70 : vector<1024x128xf32>
      %max3A_75 = arith.maximumf %max3A_73, %min3A_72 : vector<1024x128xf32>
      %min3A_76 = arith.minimumf %max3A_73, %min3A_72 : vector<1024x128xf32>
      %max3A_77 = arith.maximumf %max3A_63, %min3A_74 : vector<1024x128xf32>
      %max3A_78 = arith.maximumf %min3A_64, %min3A_76 : vector<1024x128xf32>
      %max3A_79 = arith.maximumf %max3A_65, %max3A_75 : vector<1024x128xf32>
      %max3A_80 = arith.maximumf %min3A_66, %max3A_71 : vector<1024x128xf32>
      %max3A_81 = arith.maximumf %max3A_57, %max3A_80 : vector<1024x128xf32>
      %min3A_82 = arith.minimumf %max3A_57, %max3A_80 : vector<1024x128xf32>
      %max3A_83 = arith.maximumf %max3A_77, %max3A_79 : vector<1024x128xf32>
      %min3A_84 = arith.minimumf %max3A_77, %max3A_79 : vector<1024x128xf32>
      %max3A_85 = arith.maximumf %max3A_78, %min3A_82 : vector<1024x128xf32>
      %min3A_86 = arith.minimumf %max3A_78, %min3A_82 : vector<1024x128xf32>
      %max3A_87 = arith.maximumf %max3A_83, %max3A_85 : vector<1024x128xf32>
      %min3A_88 = arith.minimumf %max3A_83, %max3A_85 : vector<1024x128xf32>
      %max3A_89 = arith.maximumf %min3A_84, %min3A_86 : vector<1024x128xf32>
      %min3A_90 = arith.minimumf %min3A_84, %min3A_86 : vector<1024x128xf32>
      %get3A_91 = arith.constant 0 : index
      %get3A_92 = arith.constant 0 : index
      %get3A_93 = vector.load %arg1[%get3A_91, %get3A_92] : memref<1024x768xbf16, #tpu.memory_space<vmem>>, vector<1024x768xbf16>
      %convert_element_type3A_94 = arith.extf %get3A_93 : vector<1024x768xbf16> to vector<1024x768xf32>
      %mul3A = arith.mulf %convert_element_type3A_94, %convert_element_type3A_94 : vector<1024x768xf32>
      %reduce_sum3A = arith.constant dense<0.000000e+00> : vector<1024xf32>
      %reduce_sum3A_95 = vector.multi_reduction <add>, %mul3A, %reduce_sum3A [1] : vector<1024x768xf32> to vector<1024xf32>
      %broadcast_in_dim3A = vector.shape_cast %reduce_sum3A_95 : vector<1024xf32> to vector<1024x1xf32>
      %mul3A_96 = arith.constant 2.000000e+00 : f32
      %mul3A_97 = vector.broadcast %mul3A_96 : f32 to vector<1024x128xf32>
      %mul3A_98 = arith.mulf %mul3A_97, %max3A_81 : vector<1024x128xf32>
      %sub3A = vector.broadcast %broadcast_in_dim3A : vector<1024x1xf32> to vector<1024x128xf32>
      %sub3A_99 = arith.subf %mul3A_98, %sub3A : vector<1024x128xf32>
      %reshape3A = vector.shape_cast %sub3A_99 : vector<1024x128xf32> to vector<64x16x128xf32>
      %transpose3A = tpu.transpose %reshape3A, [0, 2, 1] : vector<64x16x128xf32> -> vector<64x128x16xf32>
      %swap3A = arith.constant 0 : index
      %swap3A_100 = arith.constant 0 : index
      %swap3A_101 = arith.constant 0 : index
      %swap3A_102 = vector.load %arg3[%swap3A, %swap3A_100, %swap3A_101] : memref<64x640x16xf32, #tpu.memory_space<vmem>>, vector<64x128x16xf32>
      tpu.vector_store %arg3[%swap3A, %swap3A_100, %swap3A_101], %transpose3A {strides = array<i32>} : memref<64x640x16xf32, #tpu.memory_space<vmem>>, vector<64x128x16xf32>,
      %mul3A_103 = arith.constant 2.000000e+00 : f32
      %mul3A_104 = vector.broadcast %mul3A_103 : f32 to vector<1024x128xf32>
      %mul3A_105 = arith.mulf %mul3A_104, %max3A_87 : vector<1024x128xf32>
      %sub3A_106 = vector.broadcast %broadcast_in_dim3A : vector<1024x1xf32> to vector<1024x128xf32>
      %sub3A_107 = arith.subf %mul3A_105, %sub3A_106 : vector<1024x128xf32>
      %reshape3A_108 = vector.shape_cast %sub3A_107 : vector<1024x128xf32> to vector<64x16x128xf32>
      %transpose3A_109 = tpu.transpose %reshape3A_108, [0, 2, 1] : vector<64x16x128xf32> -> vector<64x128x16xf32>
      %swap3A_110 = arith.constant 0 : index
      %swap3A_111 = arith.constant 128 : index
      %swap3A_112 = arith.constant 0 : index
      %swap3A_113 = vector.load %arg3[%swap3A_110, %swap3A_111, %swap3A_112] : memref<64x640x16xf32, #tpu.memory_space<vmem>>, vector<64x128x16xf32>
      tpu.vector_store %arg3[%swap3A_110, %swap3A_111, %swap3A_112], %transpose3A_109 {strides = array<i32>} : memref<64x640x16xf32, #tpu.memory_space<vmem>>, vector<64x128x16xf32>,
      %mul3A_114 = arith.constant 2.000000e+00 : f32
      %mul3A_115 = vector.broadcast %mul3A_114 : f32 to vector<1024x128xf32>
      %mul3A_116 = arith.mulf %mul3A_115, %min3A_88 : vector<1024x128xf32>
      %sub3A_117 = vector.broadcast %broadcast_in_dim3A : vector<1024x1xf32> to vector<1024x128xf32>
      %sub3A_118 = arith.subf %mul3A_116, %sub3A_117 : vector<1024x128xf32>
      %reshape3A_119 = vector.shape_cast %sub3A_118 : vector<1024x128xf32> to vector<64x16x128xf32>
      %transpose3A_120 = tpu.transpose %reshape3A_119, [0, 2, 1] : vector<64x16x128xf32> -> vector<64x128x16xf32>
      %swap3A_121 = arith.constant 0 : index
      %swap3A_122 = arith.constant 256 : index
      %swap3A_123 = arith.constant 0 : index
      %swap3A_124 = vector.load %arg3[%swap3A_121, %swap3A_122, %swap3A_123] : memref<64x640x16xf32, #tpu.memory_space<vmem>>, vector<64x128x16xf32>
      tpu.vector_store %arg3[%swap3A_121, %swap3A_122, %swap3A_123], %transpose3A_120 {strides = array<i32>} : memref<64x640x16xf32, #tpu.memory_space<vmem>>, vector<64x128x16xf32>,
      %mul3A_125 = arith.constant 2.000000e+00 : f32
      %mul3A_126 = vector.broadcast %mul3A_125 : f32 to vector<1024x128xf32>
      %mul3A_127 = arith.mulf %mul3A_126, %max3A_89 : vector<1024x128xf32>
      %sub3A_128 = vector.broadcast %broadcast_in_dim3A : vector<1024x1xf32> to vector<1024x128xf32>
      %sub3A_129 = arith.subf %mul3A_127, %sub3A_128 : vector<1024x128xf32>
      %reshape3A_130 = vector.shape_cast %sub3A_129 : vector<1024x128xf32> to vector<64x16x128xf32>
      %transpose3A_131 = tpu.transpose %reshape3A_130, [0, 2, 1] : vector<64x16x128xf32> -> vector<64x128x16xf32>
      %swap3A_132 = arith.constant 0 : index
      %swap3A_133 = arith.constant 384 : index
      %swap3A_134 = arith.constant 0 : index
      %swap3A_135 = vector.load %arg3[%swap3A_132, %swap3A_133, %swap3A_134] : memref<64x640x16xf32, #tpu.memory_space<vmem>>, vector<64x128x16xf32>
      tpu.vector_store %arg3[%swap3A_132, %swap3A_133, %swap3A_134], %transpose3A_131 {strides = array<i32>} : memref<64x640x16xf32, #tpu.memory_space<vmem>>, vector<64x128x16xf32>,
      %mul3A_136 = arith.constant 2.000000e+00 : f32
      %mul3A_137 = vector.broadcast %mul3A_136 : f32 to vector<1024x128xf32>
      %mul3A_138 = arith.mulf %mul3A_137, %min3A_90 : vector<1024x128xf32>
      %sub3A_139 = vector.broadcast %broadcast_in_dim3A : vector<1024x1xf32> to vector<1024x128xf32>
      %sub3A_140 = arith.subf %mul3A_138, %sub3A_139 : vector<1024x128xf32>
      %reshape3A_141 = vector.shape_cast %sub3A_140 : vector<1024x128xf32> to vector<64x16x128xf32>
      %transpose3A_142 = tpu.transpose %reshape3A_141, [0, 2, 1] : vector<64x16x128xf32> -> vector<64x128x16xf32>
      %swap3A_143 = arith.constant 0 : index
      %swap3A_144 = arith.constant 512 : index
      %swap3A_145 = arith.constant 0 : index
      %swap3A_146 = vector.load %arg3[%swap3A_143, %swap3A_144, %swap3A_145] : memref<64x640x16xf32, #tpu.memory_space<vmem>>, vector<64x128x16xf32>
      tpu.vector_store %arg3[%swap3A_143, %swap3A_144, %swap3A_145], %transpose3A_142 {strides = array<i32>} : memref<64x640x16xf32, #tpu.memory_space<vmem>>, vector<64x128x16xf32>,
    } else {
    }
    return
  }
  func.func @transform_0(%arg0: i32) -> (i32, i32) {
    %c0_i32 = arith.constant 0 : i32
    %c0_i32_0 = arith.constant 0 : i32
    %c0_i32_1 = arith.constant 0 : i32
    return %c0_i32, %c0_i32_0 : i32, i32
  }
  func.func @transform_1(%arg0: i32) -> (i32, i32) {
    %min3A = arith.constant 31 : i32
    %min3A_0 = arith.minsi %arg0, %min3A : i32
    %c0_i32 = arith.constant 0 : i32
    %c0_i32_1 = arith.constant 0 : i32
    return %min3A_0, %c0_i32 : i32, i32
  }
  func.func @transform_2(%arg0: i32) -> (i32, i32, i32) {
    %c0_i32 = arith.constant 0 : i32
    %c0_i32_0 = arith.constant 0 : i32
    %c0_i32_1 = arith.constant 0 : i32
    %c0_i32_2 = arith.constant 0 : i32
    return %c0_i32, %c0_i32_0, %c0_i32_1 : i32, i32, i32
  }
}

</mosaic_0001>

<sc_bundles>
// kernel: kernel.4.cloned.1.call-start
scs
__scs_entry_jumppad:
0x0: {  	(pc) =	sbr.rel $0x88, $3  }
0x1: {  	(tag) =	ssettag $0x0;
	lr =	simm.s32 $0x1  }
0x2: {  	[smem:$0x3F9E] =	sst lr;
	_ =	strace $0xD0000000  }
0x3: {  	_ = 	snop  }
0x4: {  	_ = 	snop  }
0x5: {  	_ = 	snop  }
0x6: {  	_ = 	snop  }
0x7: {  	_ = 	snop  }
__scs_overlays_trampoline_lowered:
0x8: {  	[smem:$0x3FAD] =	sst s0  }
0x9: {  	[smem:$0x3FAE] =	sst s1  }
0xa: {  	[smem:$0x3FAF] =	sst s2  }
0xb: {  	[smem:$0x3FB0] =	sst s3  }
0xc: {  	[smem:$0x3FB1] =	sst s4  }
0xd: {  	[smem:$0x3FB2] =	sst s5  }
0xe: {  	[smem:$0x3FB3] =	sst s6  }
0xf: {  	[smem:$0x3FB4] =	sst s7  }
0x10: {  	[smem:$0x3FB5] =	sst s8  }
0x11: {  	[smem:$0x3FB6] =	sst s9;
	s0 =	simm.s32 @!p0 $0x0  }
0x12: {  	s1 =	sld [smem:$0x3F9C];
	s0 =	simm.s32 @p0 $0x1  }
0x13: {  	[smem:$0x3FB7] =	sst s0;
	s0 =	simm.s32 @!p1 $0x0  }
0x14: {  	s2 =	sld [smem:$0x3F9B];
	s0 =	simm.s32 @p1 $0x1  }
0x15: {  	[smem:$0x3FB8] =	sst s0;
	s0 =	simm.s32 @!p2 $0x0  }
0x16: {  	s3 =	sld [smem:$0x3FDB];
	s0 =	simm.s32 @p2 $0x1  }
0x17: {  	s4 =	simm.s32 $0x1BF5;
	[smem:$0x3FBA] =	sst s0  }
0x18: {  	s0 =	sld [smem:$0x3F9D];
	_ =	swait.ge [sflag:s4], $0x0  }
0x19: {  	s7 =	sld [smem:$0x3F9E]  }
0x1a: {  	s8 =	sadd.s32 $0xFFFFE003, lr  }
0x1b: {  	s9 =	sadd.s32 $0xFFFFFEF7, lr;
	s5 =	simm.s32 $0xFFFFFFFF;
	p2 =	slt.u32 s8, $0xFFFFF086  }
0x1c: {  	p1 =	slt.u32 s9, $0xF7A;
	s5 =	simm.s32 @!p2 $0x0  }
0x1d: {  	s5 =	simm.s32 @p1 $0x1;
	p0 =	seq.s32 s7, s2  }
0x1e: {  	s7 =	smul.u32 @!p0 $0xF7A, s2;
	p2 =	seq.s32 @!p0 s5, $0x0  }
0x1f: {  	s9 =	smul.u32 $0xF7A, s1;
	s8 =	simm.s32 @!p0 $0x1BF5;
	p2 =	por !p2, p0  }
0x20: {  	[sflag:s8] =	ssyncset.s32 @!p0 $0xFFFFF086;
	s6 =	sadd.s32 @!p0 s3, s7;
	s7 =	simm.s32 @!p0 $0x108  }
0x21: {  	s3 =	sadd.s32 s3, s9;
	s6 =	sadd.s32 @!p0 $0x88, s6;
	s7 =	simm.s32 @p2 $0x1082  }
0x22: {  	[simem:s7], [sflag:s8] =	dma.local @!p0 [hbm:s6], $0xF7A  }
0x23: {  	s9 =	sor.u32 $0xD0000000, s2;
	s6 =	simm.s32 $0x108;
	_ =	swait.ge @!p0 [sflag:s8], $0x0  }
0x24: {  	s3 =	sadd.s32 $0x88, s3;
	s6 =	simm.s32 @!p1 $0x1082;
	[sflag:s4] =	ssyncset.s32 $0xFFFFF086  }
0x25: {  	[simem:s6], [sflag:s4] =	dma.local [hbm:s3], $0xF7A  }
0x26: {  	[smem:$0x3F9E] =	sst s1;
	(tag) =	ssettag s2;
	_ =	strace s9  }
0x27: {  	s1 =	sld [smem:$0x3FAE]  }
0x28: {  	s2 =	sld [smem:$0x3FAF]  }
0x29: {  	s4 =	sld [smem:$0x3FB1]  }
0x2a: {  	p0 =	seq.s32 s5, $0x0;
	s5 =	sld [smem:$0x3FB2]  }
0x2b: {  	s6 =	sld [smem:$0x3FB3]  }
0x2c: {  	s7 =	sld [smem:$0x3FB4]  }
0x2d: {  	s3 =	simm.s32 $0x108;
	s8 =	sld [smem:$0x3FB5]  }
0x2e: {  	s3 =	simm.s32 @!p0 $0x1082;
	s9 =	sld [smem:$0x3FB6]  }
0x2f: {  	lr =	sadd.s32 s0, s3;
	s0 =	sld [smem:$0x3FAD]  }
0x30: {  	s3 =	sld [smem:$0x3FB0]  }
0x31: {  	[smem:$0x3FB9] =	sst s10  }
0x32: {  	s10 =	sld [smem:$0x3FB7];
	_ =	sdelay $0x3  }
0x33: {  	p0 =	seq.s32 s10, $0x1;
	s10 =	sld [smem:$0x3FB9];
	_ =	sdelay $0x3  }
0x34: {  	[smem:$0x3FB9] =	sst s10  }
0x35: {  	s10 =	sld [smem:$0x3FB8];
	_ =	sdelay $0x3  }
0x36: {  	p1 =	seq.s32 s10, $0x1;
	s10 =	sld [smem:$0x3FB9];
	_ =	sdelay $0x3  }
0x37: {  	[smem:$0x3FB9] =	sst s10  }
0x38: {  	s10 =	sld [smem:$0x3FBA]  }
0x39: {  	_ = 	snop;
	(pc) =	sbr.ind lr, $3  }
0x3a: {  	_ = 	snop  }
0x3b: {  	_ = 	snop  }
0x3c: {  	p2 =	seq.s32 s10, $0x1;
	s10 =	sld [smem:$0x3FB9]  }
0x3d: {  	_ =	shalt  }
0x3e: {  	_ =	shalt  }
0x3f: {  	_ =	shalt  }
0x40: {  	_ =	shalt  }
0x41: {  	_ =	shalt  }
0x42: {  	_ =	shalt  }
0x43: {  	_ =	shalt  }
0x44: {  	_ =	shalt  }
0x45: {  	_ =	shalt  }
0x46: {  	_ =	shalt  }
0x47: {  	_ =	shalt  }
0x48: {  	_ =	shalt  }
0x49: {  	_ =	shalt  }
0x4a: {  	_ =	shalt  }
0x4b: {  	_ =	shalt  }
0x4c: {  	_ =	shalt  }
0x4d: {  	_ =	shalt  }
0x4e: {  	_ =	shalt  }
0x4f: {  	_ =	shalt  }
0x50: {  	_ =	shalt  }
0x51: {  	_ =	shalt  }
0x52: {  	_ =	shalt  }
0x53: {  	_ =	shalt  }
0x54: {  	_ =	shalt  }
0x55: {  	_ =	shalt  }
0x56: {  	_ =	shalt  }
0x57: {  	_ =	shalt  }
0x58: {  	_ =	shalt  }
0x59: {  	_ =	shalt  }
0x5a: {  	_ =	shalt  }
0x5b: {  	_ =	shalt  }
0x5c: {  	_ =	shalt  }
0x5d: {  	_ =	shalt  }
0x5e: {  	_ =	shalt  }
0x5f: {  	_ =	shalt  }
0x60: {  	_ =	shalt  }
0x61: {  	_ =	shalt  }
0x62: {  	_ =	shalt  }
0x63: {  	_ =	shalt  }
0x64: {  	_ =	shalt  }
0x65: {  	_ =	shalt  }
0x66: {  	_ =	shalt  }
0x67: {  	_ =	shalt  }
0x68: {  	_ =	shalt  }
0x69: {  	_ =	shalt  }
0x6a: {  	_ =	shalt  }
0x6b: {  	_ =	shalt  }
0x6c: {  	_ =	shalt  }
0x6d: {  	_ =	shalt  }
0x6e: {  	_ =	shalt  }
0x6f: {  	_ =	shalt  }
0x70: {  	_ =	shalt  }
0x71: {  	_ =	shalt  }
0x72: {  	_ =	shalt  }
0x73: {  	_ =	shalt  }
0x74: {  	_ =	shalt  }
0x75: {  	_ =	shalt  }
0x76: {  	_ =	shalt  }
0x77: {  	_ =	shalt  }
0x78: {  	_ =	shalt  }
0x79: {  	_ =	shalt  }
0x7a: {  	_ =	shalt  }
0x7b: {  	_ =	shalt  }
0x7c: {  	_ =	shalt  }
0x7d: {  	_ =	shalt  }
0x7e: {  	_ =	shalt  }
0x7f: {  	_ =	shalt  }
0x80: {  	_ =	shalt  }
0x81: {  	_ =	shalt  }
0x82: {  	_ =	shalt  }
0x83: {  	_ =	shalt  }
0x84: {  	_ =	shalt  }
0x85: {  	_ =	shalt  }
0x86: {  	_ =	shalt  }
0x87: {  	_ =	shalt  }
.Lfunc_end0:
.L_simem_size_0:
called_computation_lowered:
.L_overlay_start_0:
0x88: {  	s2 =	sld [smem:$0x3FD9]  }
0x89: {  	s3 =	sld [smem:$0x3FFE];
	_ =	sdelay $0x1  }
0x8a: {  	s1 =	srdreg.scid  }
0x8b: {  	s0 =	sand.u32 $0x1, s1  }
0x8c: {  	s17 =	sshll.u32 s0, $0xA;
	s2 =	sadd.s32 s3, s2  }
0x8d: {  	s2 =	sadd.s32 s2, s17  }
0x8e: {  	[smem:$0x3FC5] =	sst s2  }
0x8f: {  	_ = 	snop  }
0x90: {  	s2 =	sld [smem:$0x3FD0];
	(tm) =	ssettm $0x1  }
0x91: {  	s18 =	sld [smem:$0x3FFB];
	_ =	sdelay $0x3  }
0x92: {  	_ =	strace s18  }
0x93: {  	s3 =	sld [smem:$0x3FFC];
	_ =	sdelay $0x3  }
0x94: {  	_ =	strace s3  }
0x95: {  	s3 =	sld [smem:$0x3FFD];
	_ =	sdelay $0x3  }
0x96: {  	_ =	strace s3  }
0x97: {  	_ =	strace $0x8FFFFFFF  }
0x98: {  	s19 =	sld [smem:$0x3FDB];
	_ =	sdelay $0x1  }
0x99: {  	s4 =	simm.s32 $_scs_section_size  }
0x9a: {  	s5 =	simm.s32 $_size__tile_overlayer_lowered;
	s6 =	simm.s32 $_tile_overlayer_lowered  }
0x9b: {  	s22 =	simm.s32 $0x1BFF;
	s21 =	sshll.u32 s6, $0x1;
	s3 =	sadd.s32 s4, s19  }
0x9c: {  	s7 =	simm.s32 $0x0;
	s20 =	sshll.u32 s5, $0x1;
	s5 =	sadd.s32 s21, s3  }
0x9d: {  	[timem:s7], [sflag:s22] =	dma.local [hbm:s5], s20  }
0x9e: {  	_ =	swait.ge [sflag:s22], s20  }
0x9f: {  	s4 =	ssub.s32 $0x0, s20;
	[sflag:s22] =	ssyncset.done $0x0  }
0xa0: {  	[sflag:s22] =	ssyncadd.s32 s4;
	_ =	sdelay $0x1  }
0xa1: {  	s23 =	simm.s32 $0x1B8B  }
0xa2: {  	_ =	swait.ge [sflag:s23], $0x1  }
0xa3: {  	[sflag:s23] =	ssyncset.done $0x0  }
0xa4: {  	s25 =	simm.s32 $0x1B8E;
	s24 =	sld [smem:$0x3FFE];
	[sflag:s23] =	ssyncadd.s32 $0xFFFFFFFF  }
0xa5: {  	s26 =	simm.s32 $execute0_lowered;
	[smem:$0x3FD2] =	sst s25  }
0xa6: {  	s5 =	sshll.u32 s26, $0x1;
	_ =	strace $0x80000046;
	[dreg:$0x1] =	wrdreg $0xFFFFFFFF  }
0xa7: {  	s28 =	simm.s32 $_size_execute0_lowered;
	s3 =	sadd.s32 s3, s5;
	[dreg:$0x0] =	wrdreg $0x0  }
0xa8: {  	s5 =	sshll.u32 s28, $0x1;
	[dreg:$0x2] =	wrdreg s3  }
0xa9: {  	[dreg:$0x3] =	wrdreg s5  }
0xaa: {  	[dreg:$0x4] =	wrdreg $0xC0  }
0xab: {  	_ =	task [dreg:s7], $0x5FFFF  }
0xac: {  	[dreg:$0x1] =	wrdreg $0xFFFFFFFF  }
0xad: {  	[dreg:$0x0] =	wrdreg $0x60  }
0xae: {  	[dreg:$0x2] =	wrdreg s24  }
0xaf: {  	[dreg:$0x3] =	wrdreg s2  }
0xb0: {  	[dreg:$0x4] =	wrdreg $0x9  }
0xb1: {  	_ =	task.clear_ibuf [dreg:s7], $0x5FFFF;
	_ =	strace $0x90000046  }
0xb2: {  	s29 =	simm.s32 $0x9;
	_ =	strace $0x80000048  }
0xb3: {  	_ =	swait.ge [sflag:s29], $0x1  }
0xb4: {  	[sflag:s29] =	ssyncadd.s32 $0xFFFFFFFF  }
0xb5: {  	_ =	strace $0x90000048  }
0xb6: {  	_ =	sfence  }
0xb7: {  	s30 =	sld [smem:$0x0];
	_ =	sdelay $0x2  }
0xb8: {  	s31 =	sshll.u32 s1, $0xD;
	s1 =	sshrl.u32 s1, $0x2  }
0xb9: {  	s3 =	sand.u32 $0x4000, s31;
	s1 =	sadd.s32 s1, s30  }
0xba: {  	s0 =	sor.u32 s3, s0;
	s1 =	sshll.u32 s1, $0x11  }
0xbb: {  	s0 =	sor.u32 s1, s0  }
0xbc: {  	s0 =	sadd.s32 $0x8F2B, s0  }
0xbd: {  	[sflag:s0] =	ssyncadd.remote.s32 $0x1  }
0xbe: {  	_ =	sfence.sel $0xFFFF  }
0xbf: {  	[dreg:$0x0] =	wrdreg $0xFFFFFFFF;
	(pc) =	sbr.abs _section_cstart, $3  }
0xc0: {  	[dreg:$0x1] =	wrdreg $0xFFFFFFFF  }
0xc1: {  	_ =	task.clear_ibuf [dreg:s7], $0x2FFFF;
	_ =	strace $0x9FFFFFFF  }
0xc2: {  	(tm) =	ssettm $0x7FFFFFFF  }
0xc3: {  	_ =	shalt  }
tec
execute0_lowered:
.L_overlay_start_1:
0x0: {  	(tag) =	ssettag $0x1  }
0x1: {  	s1 =	srdreg.scid;
	s3 =	rddreg [dreg:$0x0]  }
0x2: {  	s0 =	stileid.u32;
	s5 =	rddreg [dreg:$0x1]  }
0x3: {  	s2 =	simm.s32 $0x0;
	s4 =	sand.u32 $0x1, s1;
	s1 =	rddreg [dreg:$0x2]  }
0x4: {  	s10 =	simm.s32 $0x0;
	s30 =	sshll.u32 s0, $0x1;
	[smem:$0x7FF] =	sst s2  }
0x5: {  	s3 =	sadd.s32 $0x400, s3;
	s6 =	sor.u32 s4, s30;
	s4 =	ssub.s32 $0x2, s4  }
0x6: {  	_ =	strace $0x80000047;
	s7 =	smul.u32 $0x5000, s6;
	s8 =	sshrl.u32 s4, $0x1  }
0x7: {  	s9 =	smul.u32 $0xA00, s6;
	s6 =	sshll.u32 s6, $0x2;
	s8 =	ssub.s32 s4, s8  }
0x8: {  	s5 =	sadd.s32 s5, s6;
	s7 =	sshrl.u32 s7, $0x3;
	s6 =	smax.u32 s8, $0x1  }
0x9: {  	s8 =	simm.s32 $0x2800;
	s31 =	sadd.s32 s3, s7;
	s3 =	sadd.s32 s3, s9  }
0xa: {  	s7 =	simm.s32 $0x1;
	s9 =	simm.s32 $0x5000;
	s4 =	sadd.s32 $0x500, s31  }
.LBB2_1:
0xb: {  	[tilespmem:s2], [sflag:$0x1] =	stream.linear.gather [hbm4b:s3+s2], $0x2800, $0x38;
	[tilespmem:$0x5020] =	vst v63  }
0xc: {  	_ =	swait.ge [sflag:s7], $0x2800  }
0xd: {  	[sflag:s7] =	ssyncset.done $0x0  }
0xe: {  	[sflag:s7] =	ssyncadd.s32 $0xFFFFD800  }
0xf: {  	[tilespmem:s8], [sflag:$0x1] =	stream.linear.gather [hbm4b:s4+s2], $0x2800, $0x38;
	[tilespmem:$0x5020] =	vst v63  }
0x10: {  	_ =	swait.ge [sflag:s7], $0x2800  }
0x11: {  	[sflag:s7] =	ssyncset.done $0x0  }
0x12: {  	s11 =	simm.s32 $0x0;
	[sflag:s7] =	ssyncadd.s32 $0xFFFFD800  }
0x13: {  	v1 =	vld [tilespmem:s11+$0x0]  }
0x14: {  	v2 =	vld [tilespmem:s11+$0x10]  }
0x15: {  	v3 =	vld [tilespmem:s11+$0x20]  }
0x16: {  	v4 =	vld [tilespmem:s11+$0x30];
	_ =	sdelay $0x4  }
0x17: {  	v6 =	vimm.f32 $-Inf;
	s31 =	simm.s32 $0x40;
	v5 =	vmax.f32 v1, v2;
	v7 =	vmax.f32 v3, v4  }
0x18: {  	v0 =	vld [tilespmem:s31+$0x0];
	v2 =	vmin.f32 v1, v2;
	v3 =	vmin.f32 v3, v4;
	v4 =	vmin.f32 v5, v7  }
0x19: {  	v1 =	vld [tilespmem:s31+$0x10];
	v8 =	vmax.f32 v2, v3;
	v3 =	vmin.f32 v2, v3;
	v5 =	vmax.f32 v5, v7  }
0x1a: {  	v2 =	vld [tilespmem:s31+$0x20];
	v7 =	vimm.f32 $-Inf;
	v9 =	vmax.f32 v8, v4;
	v10 =	vmin.f32 v8, v4  }
0x1b: {  	s11 =	simm.s32 $0x200;
	v8 =	vmax.f32 v6, v3;
	v4 =	vld [tilespmem:s31+$0x30];
	v3 =	vmax.f32 v6, v5;
	v5 =	vimm.f32 $-Inf  }
.LBB2_2:
0x1c: {  	p0 =	sne.s32 s11, $0x9F00;
	v6 =	vmax.f32 v6, v10;
	v7 =	vmax.f32 v7, v9;
	v9 =	vmin.f32 v5, v3  }
0x1d: {  	v10 =	vmax.f32 v8, v7;
	v8 =	vmin.f32 v8, v7;
	v11 =	vmin.f32 v6, v9  }
0x1e: {  	v6 =	vmax.f32 v6, v9;
	v7 =	vmax.f32 v8, v11;
	v11 =	vmin.f32 v8, v11  }
.Ltmp0:
0x1f: {  	s12 =	sshra.s32 s11, $0x2;
	v8 =	vmax.f32 v0, v1;
	v12 =	vmax.f32 v10, v6;
	v6 =	vmin.f32 v10, v6;
	(pc) =	sbr.rel @p0 .LBB2_2-.Ltmp0, $4  }
0x20: {  	v9 =	vmin.f32 v0, v1;
	v0 =	vld [tilespmem:s12+$0x0];
	v10 =	vmax.f32 v2, v4;
	v2 =	vmin.f32 v2, v4  }
0x21: {  	v1 =	vld [tilespmem:s12+$0x10];
	v4 =	vmin.f32 v8, v10;
	v13 =	vmax.f32 v9, v2;
	v14 =	vmin.f32 v9, v2  }
0x22: {  	v15 =	vmax.f32 v8, v10;
	v2 =	vld [tilespmem:s12+$0x20];
	v9 =	vmax.f32 v13, v4;
	v10 =	vmin.f32 v13, v4  }
0x23: {  	s11 =	sadd.s32 $0x100, s11;
	v5 =	vmax.f32 v5, v3;
	v8 =	vmax.f32 v12, v14;
	v3 =	vmax.f32 v11, v15;
	v4 =	vld [tilespmem:s12+$0x30]  }
0x24: {  	_ =	sdelay $0x1  }
0x25: {  	v7 =	vmax.f32 v7, v9  }
0x26: {  	v6 =	vmax.f32 v6, v10;
	v9 =	vmin.f32 v5, v3;
	v10 =	vmin.f32 v8, v7  }
0x27: {  	v11 =	vmin.f32 v6, v9;
	v12 =	vmax.f32 v0, v1;
	v13 =	vmax.f32 v2, v4  }
0x28: {  	v14 =	vmin.f32 v10, v11;
	v15 =	vmax.f32 v12, v13  }
0x29: {  	v3 =	vmax.f32 v5, v3;
	v14 =	vmax.f32 v14, v15  }
0x2a: {  	v5 =	vmax.f32 v8, v7;
	v6 =	vmax.f32 v6, v9;
	v7 =	vmax.f32 v3, v14  }
0x2b: {  	v9 =	vmax.f32 v5, v6;
	v5 =	vmin.f32 v5, v6;
	v7 =	vsub.f32 $0.0e+00, v7  }
0x2c: {  	v0 =	vmin.f32 v0, v1;
	v1 =	vmin.f32 v2, v4;
	v2 =	vmin.f32 v12, v13  }
0x2d: {  	v6 =	vmax.f32 v0, v1;
	v0 =	vmin.f32 v0, v1;
	v4 =	vmax.f32 v7, $0.0e+00  }
0x2e: {  	v1 =	vadd.f32 $9.999999960e-13, v4;
	v4 =	vmax.f32 v6, v2;
	v2 =	vmin.f32 v6, v2  }
0x2f: {  	v8 =	vmax.f32 v10, v11;
	v0 =	vmax.f32 v9, v0;
	v2 =	vmax.f32 v5, v2  }
0x30: {  	v4 =	vmax.f32 v8, v4;
	v5 =	vshra.s32 v1, $0x1;
	v6 =	vmul.f32 $5.000000000e-01, v1  }
0x31: {  	v3 =	vmin.f32 v3, v14;
	v7 =	vmax.f32 v0, v4;
	v5 =	vsub.s32 $0x5F3759DF, v5  }
0x32: {  	v8 =	vmax.f32 v2, v3;
	v0 =	vmin.f32 v0, v4;
	v9 =	vmul.f32 v5, v6  }
0x33: {  	v2 =	vmin.f32 v2, v3;
	v10 =	vmax.f32 v7, v8;
	v3 =	vmin.f32 v7, v8  }
0x34: {  	v8 =	vmax.f32 v0, v2;
	v10 =	vsub.f32 $0.0e+00, v10;
	v9 =	vmul.f32 v5, v9  }
0x35: {  	v0 =	vmin.f32 v0, v2;
	v3 =	vsub.f32 $0.0e+00, v3;
	v8 =	vsub.f32 $0.0e+00, v8  }
0x36: {  	v0 =	vsub.f32 $0.0e+00, v0;
	v4 =	vsub.f32 $1.500000000e+00, v9;
	v9 =	vmax.f32 v10, $0.0e+00  }
0x37: {  	v3 =	vmax.f32 v3, $0.0e+00;
	v7 =	vadd.f32 $9.999999960e-13, v9  }
0x38: {  	v8 =	vmax.f32 v8, $0.0e+00;
	v0 =	vmax.f32 v0, $0.0e+00;
	v3 =	vadd.f32 $9.999999960e-13, v3  }
0x39: {  	v4 =	vmul.f32 v5, v4;
	v2 =	vshra.s32 v7, $0x1;
	v5 =	vmul.f32 $5.000000000e-01, v7  }
0x3a: {  	v8 =	vadd.f32 $9.999999960e-13, v8;
	v0 =	vadd.f32 $9.999999960e-13, v0;
	v2 =	vsub.s32 $0x5F3759DF, v2  }
0x3b: {  	v11 =	vshra.s32 v3, $0x1;
	v56 =	vmul.f32 $5.000000000e-01, v3;
	v10 =	vmul.f32 v2, v5  }
0x3c: {  	v58 =	vshra.s32 v8, $0x1;
	v59 =	vmul.f32 $5.000000000e-01, v8;
	v11 =	vsub.s32 $0x5F3759DF, v11  }
0x3d: {  	v14 =	vsub.s32 $0x5F3759DF, v58;
	v57 =	vmul.f32 v11, v56;
	v10 =	vmul.f32 v2, v10  }
0x3e: {  	v16 =	vshra.s32 v0, $0x1;
	v18 =	vmul.f32 v14, v59;
	v9 =	vmul.f32 v4, v6  }
0x3f: {  	v17 =	vmul.f32 $5.000000000e-01, v0;
	v13 =	vmul.f32 v11, v57;
	v10 =	vsub.f32 $1.500000000e+00, v10  }
0x40: {  	v16 =	vsub.s32 $0x5F3759DF, v16;
	v18 =	vmul.f32 v14, v18;
	v9 =	vmul.f32 v9, v4  }
0x41: {  	v2 =	vmul.f32 v2, v10;
	v10 =	vmul.f32 v16, v17  }
0x42: {  	v13 =	vsub.f32 $1.500000000e+00, v13;
	v60 =	vsub.f32 $1.500000000e+00, v18  }
0x43: {  	v9 =	vsub.f32 $1.500000000e+00, v9;
	v19 =	vmul.f32 v2, v5;
	v10 =	vmul.f32 v16, v10  }
0x44: {  	v11 =	vmul.f32 v11, v13;
	v13 =	vmul.f32 v14, v60  }
0x45: {  	v4 =	vmul.f32 v9, v4;
	v9 =	vmul.f32 v19, v2;
	v10 =	vsub.f32 $1.500000000e+00, v10  }
0x46: {  	v61 =	vmul.f32 v11, v56  }
0x47: {  	v62 =	vmul.f32 v13, v59;
	v9 =	vsub.f32 $1.500000000e+00, v9;
	v10 =	vmul.f32 v16, v10  }
0x48: {  	v6 =	vmul.f32 v4, v6;
	v14 =	vmul.f32 v61, v11  }
0x49: {  	v2 =	vmul.f32 v9, v2;
	v9 =	vmul.f32 v10, v17  }
0x4a: {  	v6 =	vmul.f32 v6, v4;
	v14 =	vsub.f32 $1.500000000e+00, v14;
	v16 =	vmul.f32 v62, v13  }
0x4b: {  	v5 =	vmul.f32 v2, v5;
	v9 =	vmul.f32 v9, v10  }
0x4c: {  	v11 =	vmul.f32 v14, v11;
	v63 =	vsub.f32 $1.500000000e+00, v16  }
0x4d: {  	v6 =	vsub.f32 $1.500000000e+00, v6;
	v5 =	vmul.f32 v5, v2;
	v9 =	vsub.f32 $1.500000000e+00, v9  }
0x4e: {  	v12 =	vmul.f32 v11, v56;
	v13 =	vmul.f32 v63, v13  }
0x4f: {  	v4 =	vmul.f32 v6, v4;
	v6 =	vmul.f32 v9, v10;
	v5 =	vsub.f32 $1.500000000e+00, v5  }
0x50: {  	v9 =	vmul.f32 v12, v11;
	v10 =	vmul.f32 v13, v59  }
0x51: {  	v1 =	vmul.f32 v4, v1;
	v2 =	vmul.f32 v5, v2  }
0x52: {  	v4 =	vsub.f32 $1.500000000e+00, v9;
	v5 =	vmul.f32 v10, v13;
	v9 =	vmul.f32 v6, v17  }
0x53: {  	v1 =	vadd.f32 $0.0e+00, v1;
	v2 =	vmul.f32 v2, v7  }
0x54: {  	v4 =	vmul.f32 v4, v11;
	v5 =	vsub.f32 $1.500000000e+00, v5;
	v7 =	vmul.f32 v9, v6  }
0x55: {  	v1 =	vadd.f32 v2, v1  }
0x56: {  	v2 =	vmul.f32 v4, v3;
	v3 =	vmul.f32 v5, v13;
	v4 =	vsub.f32 $1.500000000e+00, v7;
	_ =	sdelay $0x1  }
0x57: {  	v1 =	vadd.f32 v2, v1;
	v2 =	vmul.f32 v3, v8;
	v3 =	vmul.f32 v4, v6;
	_ =	sdelay $0x1  }
0x58: {  	v1 =	vadd.f32 v2, v1;
	v0 =	vmul.f32 v3, v0;
	_ =	sdelay $0x1  }
0x59: {  	v0 =	vadd.f32 v0, v1;
	_ =	sdelay $0x1  }
0x5a: {  	s11 =	simm.s32 $0x0;
	[tilespmem:$0x5000] =	vst v0  }
0x5b: {  	v1 =	vld [tilespmem:s11+$0x2800]  }
0x5c: {  	v2 =	vld [tilespmem:s11+$0x2810]  }
0x5d: {  	v3 =	vld [tilespmem:s11+$0x2820]  }
0x5e: {  	v4 =	vld [tilespmem:s11+$0x2830];
	_ =	sdelay $0x4  }
0x5f: {  	s31 =	simm.s32 $0x40;
	v6 =	vimm.f32 $-Inf;
	v5 =	vmax.f32 v1, v2;
	v7 =	vmax.f32 v3, v4  }
0x60: {  	v0 =	vld [tilespmem:s31+$0x2800];
	v2 =	vmin.f32 v1, v2;
	v3 =	vmin.f32 v3, v4;
	v4 =	vmin.f32 v5, v7  }
0x61: {  	v1 =	vld [tilespmem:s31+$0x2810];
	v8 =	vmax.f32 v2, v3;
	v3 =	vmin.f32 v2, v3;
	v5 =	vmax.f32 v5, v7  }
0x62: {  	v2 =	vld [tilespmem:s31+$0x2820];
	v7 =	vimm.f32 $-Inf;
	v9 =	vmax.f32 v8, v4;
	v10 =	vmin.f32 v8, v4  }
0x63: {  	s11 =	simm.s32 $0x200;
	v8 =	vmax.f32 v6, v3;
	v4 =	vld [tilespmem:s31+$0x2830];
	v3 =	vmax.f32 v6, v5;
	v5 =	vimm.f32 $-Inf  }
.LBB2_4:
0x64: {  	p0 =	sne.s32 s11, $0x9F00;
	v6 =	vmax.f32 v6, v10;
	v7 =	vmax.f32 v7, v9;
	v9 =	vmin.f32 v5, v3  }
0x65: {  	v10 =	vmax.f32 v8, v7;
	v8 =	vmin.f32 v8, v7;
	v11 =	vmin.f32 v6, v9  }
0x66: {  	v6 =	vmax.f32 v6, v9;
	v7 =	vmax.f32 v8, v11;
	v11 =	vmin.f32 v8, v11  }
.Ltmp1:
0x67: {  	s12 =	sshra.s32 s11, $0x2;
	v8 =	vmax.f32 v0, v1;
	v12 =	vmax.f32 v10, v6;
	v6 =	vmin.f32 v10, v6;
	(pc) =	sbr.rel @p0 .LBB2_4-.Ltmp1, $4  }
0x68: {  	v9 =	vmin.f32 v0, v1;
	v0 =	vld [tilespmem:s12+$0x2800];
	v10 =	vmax.f32 v2, v4;
	v2 =	vmin.f32 v2, v4  }
0x69: {  	v1 =	vld [tilespmem:s12+$0x2810];
	v4 =	vmin.f32 v8, v10;
	v13 =	vmax.f32 v9, v2;
	v14 =	vmin.f32 v9, v2  }
0x6a: {  	v15 =	vmax.f32 v8, v10;
	v2 =	vld [tilespmem:s12+$0x2820];
	v9 =	vmax.f32 v13, v4;
	v10 =	vmin.f32 v13, v4  }
0x6b: {  	s11 =	sadd.s32 $0x100, s11;
	v5 =	vmax.f32 v5, v3;
	v8 =	vmax.f32 v12, v14;
	v3 =	vmax.f32 v11, v15;
	v4 =	vld [tilespmem:s12+$0x2830]  }
0x6c: {  	_ = 	snop  }
0x6d: {  	v7 =	vmax.f32 v7, v9;
	v6 =	vmax.f32 v6, v10  }
0x6e: {  	v61 =	vmin.f32 v5, v3;
	v63 =	vmax.f32 v5, v3;
	v62 =	vmin.f32 v8, v7  }
0x6f: {  	v11 =	vmin.f32 v6, v61;
	v6 =	vmax.f32 v6, v61;
	v12 =	vmax.f32 v0, v1  }
0x70: {  	v14 =	vmin.f32 v62, v11;
	v17 =	vmax.f32 v62, v11;
	v13 =	vmax.f32 v2, v4  }
0x71: {  	v18 =	vmin.f32 v0, v1;
	v19 =	vmin.f32 v2, v4;
	v15 =	vmax.f32 v12, v13  }
0x72: {  	v20 =	vmin.f32 v12, v13;
	v22 =	vmax.f32 v18, v19;
	v0 =	vmin.f32 v18, v19  }
0x73: {  	v14 =	vmax.f32 v14, v15;
	v15 =	vmax.f32 v8, v7;
	v24 =	vmax.f32 v22, v20  }
0x74: {  	v2 =	vmin.f32 v22, v20;
	v16 =	vmax.f32 v63, v14;
	v9 =	vmax.f32 v15, v6  }
0x75: {  	v5 =	vmin.f32 v15, v6;
	v4 =	vmax.f32 v17, v24;
	v3 =	vmin.f32 v63, v14  }
0x76: {  	v7 =	vsub.f32 $0.0e+00, v16;
	v0 =	vmax.f32 v9, v0;
	v2 =	vmax.f32 v5, v2  }
0x77: {  	v27 =	vmax.f32 v0, v4;
	v28 =	vmax.f32 v2, v3;
	v0 =	vmin.f32 v0, v4  }
0x78: {  	v2 =	vmin.f32 v2, v3;
	v21 =	vmax.f32 v7, $0.0e+00;
	v30 =	vmax.f32 v27, v28  }
0x79: {  	v33 =	vmin.f32 v27, v28;
	v35 =	vmax.f32 v0, v2;
	v23 =	vadd.f32 $9.999999960e-13, v21  }
0x7a: {  	v0 =	vmin.f32 v0, v2;
	v10 =	vsub.f32 $0.0e+00, v30;
	v3 =	vsub.f32 $0.0e+00, v33  }
0x7b: {  	v8 =	vsub.f32 $0.0e+00, v35;
	v0 =	vsub.f32 $0.0e+00, v0  }
0x7c: {  	v25 =	vshra.s32 v23, $0x1;
	v26 =	vmul.f32 $5.000000000e-01, v23;
	v32 =	vmax.f32 v10, $0.0e+00  }
0x7d: {  	v3 =	vmax.f32 v3, $0.0e+00;
	v8 =	vmax.f32 v8, $0.0e+00;
	v0 =	vmax.f32 v0, $0.0e+00  }
0x7e: {  	v5 =	vsub.s32 $0x5F3759DF, v25;
	v34 =	vadd.f32 $9.999999960e-13, v32;
	v3 =	vadd.f32 $9.999999960e-13, v3  }
0x7f: {  	v8 =	vadd.f32 $9.999999960e-13, v8;
	v0 =	vadd.f32 $9.999999960e-13, v0;
	v29 =	vmul.f32 v5, v26  }
0x80: {  	v36 =	vshra.s32 v34, $0x1;
	v37 =	vmul.f32 $5.000000000e-01, v34;
	v40 =	vshra.s32 v3, $0x1  }
0x81: {  	v41 =	vmul.f32 $5.000000000e-01, v3;
	v43 =	vshra.s32 v8, $0x1;
	v44 =	vmul.f32 $5.000000000e-01, v8  }
0x82: {  	v9 =	vmul.f32 v5, v29;
	v2 =	vsub.s32 $0x5F3759DF, v36;
	v11 =	vsub.s32 $0x5F3759DF, v40  }
0x83: {  	v14 =	vsub.s32 $0x5F3759DF, v43;
	v39 =	vmul.f32 v2, v37;
	v42 =	vmul.f32 v11, v41  }
0x84: {  	v17 =	vmul.f32 $5.000000000e-01, v0;
	v18 =	vmul.f32 v14, v44;
	v31 =	vsub.f32 $1.500000000e+00, v9  }
0x85: {  	v16 =	vshra.s32 v0, $0x1;
	v10 =	vmul.f32 v2, v39;
	v13 =	vmul.f32 v11, v42  }
0x86: {  	v16 =	vsub.s32 $0x5F3759DF, v16;
	v18 =	vmul.f32 v14, v18;
	v4 =	vmul.f32 v5, v31  }
0x87: {  	v45 =	vmul.f32 v16, v17;
	v10 =	vsub.f32 $1.500000000e+00, v10  }
0x88: {  	v13 =	vsub.f32 $1.500000000e+00, v13;
	v46 =	vsub.f32 $1.500000000e+00, v18;
	v38 =	vmul.f32 v4, v26  }
0x89: {  	v2 =	vmul.f32 v2, v10;
	v10 =	vmul.f32 v16, v45  }
0x8a: {  	v11 =	vmul.f32 v11, v13;
	v13 =	vmul.f32 v14, v46  }
0x8b: {  	v9 =	vmul.f32 v38, v4;
	v19 =	vmul.f32 v2, v37  }
0x8c: {  	v10 =	vsub.f32 $1.500000000e+00, v10;
	v48 =	vmul.f32 v11, v41  }
0x8d: {  	v49 =	vmul.f32 v13, v44;
	v9 =	vsub.f32 $1.500000000e+00, v9;
	v47 =	vmul.f32 v19, v2  }
0x8e: {  	v10 =	vmul.f32 v16, v10;
	v14 =	vmul.f32 v48, v11  }
0x8f: {  	v16 =	vmul.f32 v49, v13;
	v4 =	vmul.f32 v9, v4  }
0x90: {  	v9 =	vsub.f32 $1.500000000e+00, v47;
	v50 =	vmul.f32 v10, v17  }
0x91: {  	v14 =	vsub.f32 $1.500000000e+00, v14;
	v51 =	vsub.f32 $1.500000000e+00, v16;
	v6 =	vmul.f32 v4, v26  }
0x92: {  	v2 =	vmul.f32 v9, v2;
	v9 =	vmul.f32 v50, v10  }
0x93: {  	v11 =	vmul.f32 v14, v11;
	v13 =	vmul.f32 v51, v13  }
0x94: {  	v6 =	vmul.f32 v6, v4;
	v5 =	vmul.f32 v2, v37  }
0x95: {  	v9 =	vsub.f32 $1.500000000e+00, v9;
	v12 =	vmul.f32 v11, v41  }
0x96: {  	v54 =	vmul.f32 v13, v44;
	v6 =	vsub.f32 $1.500000000e+00, v6;
	v5 =	vmul.f32 v5, v2  }
0x97: {  	v52 =	vmul.f32 v9, v10;
	v53 =	vmul.f32 v12, v11  }
0x98: {  	v4 =	vmul.f32 v6, v4;
	v5 =	vsub.f32 $1.500000000e+00, v5  }
0x99: {  	v56 =	vmul.f32 v54, v13;
	v55 =	vsub.f32 $1.500000000e+00, v53;
	v57 =	vmul.f32 v52, v17  }
0x9a: {  	v1 =	vmul.f32 v4, v23;
	v2 =	vmul.f32 v5, v2  }
0x9b: {  	v4 =	vmul.f32 v55, v11;
	v5 =	vsub.f32 $1.500000000e+00, v56  }
0x9c: {  	v58 =	vmul.f32 v57, v52;
	v1 =	vadd.f32 $0.0e+00, v1;
	v2 =	vmul.f32 v2, v34  }
0x9d: {  	v59 =	vmul.f32 v4, v3  }
0x9e: {  	v60 =	vmul.f32 v5, v13;
	v61 =	vsub.f32 $1.500000000e+00, v58;
	v1 =	vadd.f32 v2, v1;
	_ =	sdelay $0x1  }
0x9f: {  	v62 =	vmul.f32 v60, v8;
	v63 =	vmul.f32 v61, v52;
	v1 =	vadd.f32 v59, v1;
	_ =	sdelay $0x1  }
0xa0: {  	v0 =	vmul.f32 v63, v0;
	v1 =	vadd.f32 v62, v1;
	_ =	sdelay $0x1  }
0xa1: {  	s10 =	sadd.s32 $0x1, s10;
	v0 =	vadd.f32 v0, v1  }
0xa2: {  	p0 =	sne.s32 s10, s6  }
.Ltmp2:
0xa3: {  	[tilespmem:$0x5010] =	vst v0;
	(pc) =	sbr.rel @p0 .LBB2_1-.Ltmp2, $4  }
0xa4: {  	[hbm4b:s5+s2] =	stream.linear.scatter [tilespmem:s9], [sflag:$0x1], $0x20, $0x38;
	[tilespmem:$0x5020] =	vst v63  }
0xa5: {  	_ =	swait.ge [sflag:s7], $0x20  }
0xa6: {  	[sflag:s7] =	ssyncset.done $0x0  }
0xa7: {  	[sflag:s7] =	ssyncadd.s32 $0xFFFFFFE0  }
0xa8: {  	_ =	sfence.sel $0x180000  }
0xa9: {  	[bflag:$0x0] =	sbarrier.arrive $0xFFFF  }
0xaa: {  	p0 =	sne.s32 s0, $0x0;
	_ =	strace $0x90000047  }
0xab: {  	s0 =	sadd.s32 @!p0 $0x100000, s1;
	[bflag:$0x2] =	sbarrier.arrive $0xFFFF  }
0xac: {  	[sflag:s0] =	ssyncadd.tile.s32 @!p0 $0x1;
	_ =	shalt  }
.Lfunc_end2:
_tile_overlayer_lowered:
.L_overlay_start_2:
0xad: {  	(tag) =	ssettag $0x2  }
0xae: {  	s0 =	rddreg [dreg:$0x0];
	s2 =	stileid.u32  }
0xaf: {  	s1 =	rddreg [dreg:$0x1];
	p0 =	sne.s32 s2, $0x0  }
0xb0: {  	s3 =	rddreg [dreg:$0x2];
	[bflag:$0x3] =	sbarrier.arrive $0xFFFF;
	s2 =	simm.s32 @!p0 $0x1C01  }
0xb1: {  	[timem:s3], [sflag:s2] =	dma.local @!p0 [hbm:s0], s1  }
0xb2: {  	s0 =	simm.s32 @!p0 $0x1  }
0xb3: {  	_ =	swait.ge @!p0 [sflag:s0], s1  }
0xb4: {  	s1 =	ssub.s32 @!p0 $0x0, s1;
	[sflag:s0] =	ssyncset.done @!p0 $0x0  }
0xb5: {  	[sflag:s0] =	ssyncadd.s32 @!p0 s1  }
0xb6: {  	[bflag:$0x3] =	sbarrier.arrive $0xFFFF  }
0xb7: {  	_ =	shalt  }

</sc_bundles>
